<compile_context>
chip_gen: v7x
topology: tpu7x:2x2x1
jax: 0.10.2.dev20260603
libtpu: 0.0.44.dev20260713+nightly
codegen_flags: <defaults>
</compile_context>

<pallas_src>
import functools

import jax
import jax.numpy as jnp
from jax import lax
from jax.experimental import pallas as pl
from jax.experimental.pallas import tpu as pltpu
from jax.experimental.pallas import tpu_sc as plsc

NC, NS, LANES = 2, 16, 16
NW = NC * NS
DEGW = 16
K = 128


def _sc_mesh():
    return plsc.VectorSubcoreMesh(
        core_axis_name="c", subcore_axis_name="s", num_cores=NC, num_subcores=NS
    )


def _deg_pass(dst, ones_kw, npad):
    e = dst.shape[0]
    ec = e // NW
    nfull, tail = divmod(ec, K)
    rows_per_tile = npad // NS

    @functools.partial(
        pl.kernel,
        out_type=jax.ShapeDtypeStruct((NC, npad, DEGW), jnp.float32),
        mesh=_sc_mesh(),
        scratch_types=[
            pltpu.VMEM_SHARED((npad, DEGW), jnp.float32),
            pltpu.VMEM((K, DEGW), jnp.float32),
            pltpu.VMEM((K,), jnp.int32),
            pltpu.VMEM((max(tail, 1),), jnp.int32),
        ],
    )
    def k(dst_hbm, ones_hbm, out_hbm, acc, ones_v, didx, didx_t):
        c = lax.axis_index("c")
        s = lax.axis_index("s")
        wid = s * NC + c
        pltpu.sync_copy(ones_hbm, ones_v)
        r0 = s * rows_per_tile
        for r in range(rows_per_tile // K):
            pltpu.sync_copy(ones_v, acc.at[pl.ds(r0 + r * K, K)])
        plsc.subcore_barrier()
        eb = wid * ec

        def chunk(i, carry):
            pltpu.sync_copy(dst_hbm.at[pl.ds(eb + i * K, K)], didx)
            pltpu.sync_copy(ones_v, acc.at[didx], add=True)
            return carry

        lax.fori_loop(0, nfull, chunk, 0)
        if tail:
            pltpu.sync_copy(dst_hbm.at[pl.ds(eb + nfull * K, tail)], didx_t)
            pltpu.sync_copy(ones_v.at[pl.ds(0, tail)], acc.at[didx_t], add=True)
        plsc.subcore_barrier()
        pltpu.sync_copy(
            acc.at[pl.ds(r0, rows_per_tile)],
            out_hbm.at[c, pl.ds(r0, rows_per_tile)],
        )

    return k(dst, ones_kw)


def _edge_pass(y, src, dst, npad):
    n, h = y.shape
    assert n == npad
    e = src.shape[0]
    ec = e // NW
    nfull, tail = divmod(ec, K)
    rows_per_tile = npad // NS

    @functools.partial(
        pl.kernel,
        out_type=jax.ShapeDtypeStruct((NC, npad, h), jnp.float32),
        mesh=_sc_mesh(),
        scratch_types=[
            pltpu.VMEM_SHARED((npad, h), jnp.float32),
            pltpu.VMEM((K,), jnp.int32),
            pltpu.VMEM((K,), jnp.int32),
            pltpu.VMEM((K, h), jnp.float32),
            pltpu.VMEM((max(tail, 1),), jnp.int32),
            pltpu.VMEM((max(tail, 1),), jnp.int32),
            pltpu.VMEM((max(tail, 1), h), jnp.float32),
            pltpu.SemaphoreType.DMA,
        ],
    )
    def k(y_hbm, src_hbm, dst_hbm, out_hbm, acc, sidx, didx, rows,
          sidx_t, didx_t, rows_t, sem):
        c = lax.axis_index("c")
        s = lax.axis_index("s")
        wid = s * NC + c
        pltpu.sync_copy(
            y_hbm.at[pl.ds(s * rows_per_tile, rows_per_tile)],
            acc.at[pl.ds(s * rows_per_tile, rows_per_tile)],
        )
        plsc.subcore_barrier()
        eb = wid * ec

        def chunk(i, carry):
            b = eb + i * K
            pltpu.sync_copy(src_hbm.at[pl.ds(b, K)], sidx)
            pltpu.sync_copy(dst_hbm.at[pl.ds(b, K)], didx)
            pltpu.async_copy(y_hbm.at[sidx], rows, sem).wait()
            pltpu.sync_copy(rows, acc.at[didx], add=True)
            return carry

        lax.fori_loop(0, nfull, chunk, 0)
        if tail:
            b = eb + nfull * K
            pltpu.sync_copy(src_hbm.at[pl.ds(b, tail)], sidx_t)
            pltpu.sync_copy(dst_hbm.at[pl.ds(b, tail)], didx_t)
            pltpu.async_copy(y_hbm.at[sidx_t], rows_t, sem).wait()
            pltpu.sync_copy(rows_t, acc.at[didx_t], add=True)
        plsc.subcore_barrier()
        r0 = s * rows_per_tile
        pltpu.sync_copy(
            acc.at[pl.ds(r0, rows_per_tile)],
            out_hbm.at[c, pl.ds(r0, rows_per_tile)],
        )

    return k(y, src, dst)


def _tc1(x, w1, d0, d1, bn):
    n, d = x.shape
    h = w1.shape[1]
    grid = n // bn

    def body(x_ref, w_ref, d0_ref, d1_ref, y_ref, dinv_ref):
        deg = d0_ref[...] + d1_ref[...] - 1.0
        dinv = lax.rsqrt(deg)
        xw = jnp.dot(x_ref[...], w_ref[...], preferred_element_type=jnp.float32)
        y_ref[...] = xw * dinv
        dinv_ref[...] = dinv

    return pl.pallas_call(
        body,
        grid=(grid,),
        in_specs=[
            pl.BlockSpec((bn, d), lambda i: (i, 0)),
            pl.BlockSpec((d, h), lambda i: (0, 0)),
            pl.BlockSpec((bn, 1), lambda i: (i, 0)),
            pl.BlockSpec((bn, 1), lambda i: (i, 0)),
        ],
        out_specs=[
            pl.BlockSpec((bn, h), lambda i: (i, 0)),
            pl.BlockSpec((bn, 1), lambda i: (i, 0)),
        ],
        out_shape=[
            jax.ShapeDtypeStruct((n, h), jnp.float32),
            jax.ShapeDtypeStruct((n, 1), jnp.float32),
        ],
    )(x, w1, d0, d1)


def _tc2(a0, a1, y1, dinv, b1, w2, bn):
    n, h = y1.shape

    def body(a0_ref, a1_ref, y1_ref, dinv_ref, b1_ref, w2_ref, h_ref, y2_ref):
        conv = (a0_ref[...] + a1_ref[...] - y1_ref[...]) * dinv_ref[...] + b1_ref[...]
        hh = jnp.maximum(conv, 0.0)
        h_ref[...] = hh
        y2_ref[...] = (
            jnp.dot(hh, w2_ref[...], preferred_element_type=jnp.float32)
            * dinv_ref[...]
        )

    return pl.pallas_call(
        body,
        grid=(n // bn,),
        in_specs=[
            pl.BlockSpec((bn, h), lambda i: (i, 0)),
            pl.BlockSpec((bn, h), lambda i: (i, 0)),
            pl.BlockSpec((bn, h), lambda i: (i, 0)),
            pl.BlockSpec((bn, 1), lambda i: (i, 0)),
            pl.BlockSpec((1, h), lambda i: (0, 0)),
            pl.BlockSpec((h, h), lambda i: (0, 0)),
        ],
        out_specs=[
            pl.BlockSpec((bn, h), lambda i: (i, 0)),
            pl.BlockSpec((bn, h), lambda i: (i, 0)),
        ],
        out_shape=[
            jax.ShapeDtypeStruct((n, h), jnp.float32),
            jax.ShapeDtypeStruct((n, h), jnp.float32),
        ],
    )(a0, a1, y1, dinv, b1, w2)


def _tc3(hfeat, a0, a1, y2, dinv, b2, batch2d, wlin, blin, num_graphs, num_cls, bn):
    n, h = hfeat.shape
    grid = n // bn

    def body(h_ref, a0_ref, a1_ref, y2_ref, dinv_ref, b2_ref, bat_ref,
             wl_ref, bl_ref, out_ref, seg_scr, cnt_scr):
        i = pl.program_id(0)

        @pl.when(i == 0)
        def _init():
            seg_scr[...] = jnp.zeros_like(seg_scr)
            cnt_scr[...] = jnp.zeros_like(cnt_scr)

        conv = (a0_ref[...] + a1_ref[...] - y2_ref[...]) * dinv_ref[...] + b2_ref[...]
        h2 = jnp.maximum(conv, 0.0)
        sfeat = h_ref[...] + h2
        gids = lax.broadcasted_iota(jnp.int32, (1, num_graphs), 1)
        oh = (bat_ref[...] == gids).astype(jnp.float32)
        seg_scr[...] += lax.dot_general(
            oh, sfeat, (((0,), (0,)), ((), ())), preferred_element_type=jnp.float32
        )
        cnt_scr[...] += lax.dot_general(
            oh, jnp.ones((bn, 1), jnp.float32), (((0,), (0,)), ((), ())),
            preferred_element_type=jnp.float32,
        )

        @pl.when(i == grid - 1)
        def _fin():
            pool = seg_scr[...] / jnp.maximum(cnt_scr[...], 1.0)
            logits = (
                jnp.dot(pool, wl_ref[...], preferred_element_type=jnp.float32)
                + bl_ref[...]
            )
            logits = jnp.maximum(logits, 0.0)
            col = lax.broadcasted_iota(jnp.int32, logits.shape, 1)
            valid = col < num_cls
            masked = jnp.where(valid, logits, -jnp.inf)
            m = jnp.max(masked, axis=1, keepdims=True)
            z = logits - m
            ez = jnp.where(valid, jnp.exp(z), 0.0)
            se = jnp.sum(ez, axis=1, keepdims=True)
            out_ref[...] = jnp.where(valid, z - jnp.log(se), 0.0)

    return pl.pallas_call(
        body,
        grid=(grid,),
        in_specs=[
            pl.BlockSpec((bn, h), lambda i: (i, 0)),
            pl.BlockSpec((bn, h), lambda i: (i, 0)),
            pl.BlockSpec((bn, h), lambda i: (i, 0)),
            pl.BlockSpec((bn, h), lambda i: (i, 0)),
            pl.BlockSpec((bn, 1), lambda i: (i, 0)),
            pl.BlockSpec((1, h), lambda i: (0, 0)),
            pl.BlockSpec((bn, 1), lambda i: (i, 0)),
            pl.BlockSpec((h, h), lambda i: (0, 0)),
            pl.BlockSpec((1, h), lambda i: (0, 0)),
        ],
        out_specs=pl.BlockSpec((num_graphs, h), lambda i: (0, 0)),
        out_shape=jax.ShapeDtypeStruct((num_graphs, h), jnp.float32),
        scratch_shapes=[
            pltpu.VMEM((num_graphs, h), jnp.float32),
            pltpu.VMEM((num_graphs, 1), jnp.float32),
        ],
    )(hfeat, a0, a1, y2, dinv, b2, batch2d, wlin, blin)


def kernel(x, edge_index, batch, W1, b1, W2, b2, Wlin, blin):
    n, d = x.shape
    h = W1.shape[1]
    num_cls = Wlin.shape[1]
    num_graphs = 128
    src = edge_index[0]
    dst = edge_index[1]

    tile_quant = NS * K
    npad = ((n + tile_quant - 1) // tile_quant) * tile_quant
    bn = 512
    assert edge_index.shape[1] % NW == 0

    xp = jnp.pad(x, ((0, npad - n), (0, 0)))
    batchp = jnp.pad(batch.astype(jnp.int32), (0, npad - n),
                     constant_values=num_graphs)

    ones_kw = jnp.ones((K, DEGW), jnp.float32)
    degc = _deg_pass(dst, ones_kw, npad)
    d0 = degc[0, :, :1]
    d1 = degc[1, :, :1]

    y1, dinv = _tc1(xp, W1, d0, d1, bn)
    acc1 = _edge_pass(y1, src, dst, npad)
    hfeat, y2 = _tc2(acc1[0], acc1[1], y1, dinv,
                     b1.reshape(1, -1), W2, bn)
    acc2 = _edge_pass(y2, src, dst, npad)

    wlin_pad = jnp.pad(Wlin, ((0, 0), (0, h - num_cls)))
    blin_pad = jnp.pad(blin, (0, h - num_cls)).reshape(1, -1)
    outp = _tc3(hfeat, acc2[0], acc2[1], y2, dinv,
                b2.reshape(1, -1), batchp.reshape(-1, 1),
                wlin_pad, blin_pad, num_graphs, num_cls, bn)
    return outp[:, :num_cls]

# --- scband reference (transcript-rebuilt; emitter-appended) ---
"""Pipeline reference for scband-gcnnet-graph-cls-695784702038 (READ-ONLY COPY).

The authoritative reference and input builder live on the scoring server;
editing this copy changes nothing except your own understanding.
"""

import jax, jax.numpy as jnp
import numpy as np

N = 10000
E = 320000
D = 128
H = 128
C = 10
G = 128


def _glorot(key, shape):
    s = np.sqrt(6.0 / (shape[0] + shape[1]))
    return jax.random.uniform(key, shape, jnp.float32, -s, s)


def setup_inputs(seed: int = 0) -> dict:
    key = jax.random.key(seed)
    k1, k2, k3, k4, k5, k6 = jax.random.split(key, 6)
    x = jax.random.normal(k1, (N, D), jnp.float32)
    edge_index = jax.random.randint(k2, (2, E), 0, N, jnp.int32)
    batch = jnp.sort(jax.random.randint(k3, (N,), 0, G, jnp.int32))
    W1 = _glorot(k4, (D, H))
    b1 = jnp.zeros((H,), jnp.float32)
    W2 = _glorot(k5, (H, H))
    b2 = jnp.zeros((H,), jnp.float32)
    Wlin = _glorot(k6, (H, C))
    blin = jnp.zeros((C,), jnp.float32)
    return {"x": x, "edge_index": edge_index, "batch": batch, "W1": W1, "b1": b1, "W2": W2, "b2": b2, "Wlin": Wlin, "blin": blin}


def _gcn_conv(x, edge_index, W, b):
    n = x.shape[0]
    loop = jnp.arange(n, dtype=edge_index.dtype)
    src = jnp.concatenate([edge_index[0], loop])
    dst = jnp.concatenate([edge_index[1], loop])
    ew = jnp.ones(src.shape[0], x.dtype)
    deg = jnp.zeros((n,), x.dtype).at[dst].add(ew)
    dinv = jnp.where(deg > 0, 1.0 / jnp.sqrt(deg), 0.0)
    norm = dinv[src] * dinv[dst]
    xw = x @ W
    msg = xw[src] * norm[:, None]
    out = jax.ops.segment_sum(msg, dst, num_segments=n)
    return out + b


def _gap(x, batch, num_graphs):
    s = jax.ops.segment_sum(x, batch, num_segments=num_graphs)
    cnt = jax.ops.segment_sum(jnp.ones((x.shape[0],), x.dtype), batch, num_segments=num_graphs)
    return s / jnp.maximum(cnt, 1.0)[:, None]


def reference(x, edge_index, batch, W1, b1, W2, b2, Wlin, blin):
    h = jax.nn.relu(_gcn_conv(x, edge_index, W1, b1))
    x1 = _gap(h, batch, G)
    h2 = jax.nn.relu(_gcn_conv(h, edge_index, W2, b2))
    x2 = _gap(h2, batch, G)
    out = jax.nn.relu((x1 + x2) @ Wlin + blin)
    return jax.nn.log_softmax(out, axis=-1)

if __name__ == "__main__":
    import jax
    _d = setup_inputs()
    print(jax.jit(kernel)(*tuple(_d.values())))

</pallas_src>

<mosaic_0001>
#map = affine_map<(d0, d1) -> (0)>
#map1 = affine_map<(d0, d1) -> (0, 0)>
#map2 = affine_map<(d0, d1) -> (0, 0, 0)>
module attributes {stable_mosaic.version = 14 : i64} {
  func.func @k(%arg0: i32, %arg1: i32, %arg2: memref<320000xi32, #tpu.memory_space<hbm>>, %arg3: memref<128x16xf32, #tpu.memory_space<hbm>>, %arg4: memref<2x10240x16xf32, #tpu.memory_space<hbm>>, %arg5: memref<10240x16xf32, #tpu.memory_space<vmem_shared>>, %arg6: memref<128x16xf32, #tpu.memory_space<vmem>>, %arg7: memref<128xi32, #tpu.memory_space<vmem>>, %arg8: memref<16xi32, #tpu.memory_space<vmem>>) attributes {dimension_semantics = [#tpu.dimension_semantics<core_parallel>, #tpu.dimension_semantics<subcore_parallel>], iteration_bounds = array<i64: 2, 16>, scalar_prefetch = 0 : i64, scratch_operands = 4 : i64, tpu.core_type = #tpu.core_type<sc_vector_subcore>, window_params = [{transform_indices = #map}, {transform_indices = #map1}, {transform_indices = #map2}]} {
    %mul3A = arith.constant 2 : i32
    %mul3A_0 = arith.muli %arg1, %mul3A : i32
    %add3A = arith.addi %mul3A_0, %arg0 : i32
    "tpu.region"() ({
      %run_scoped3A = tpu.sem_alloc : memref<!tpu.dma_semaphore, #tpu.memory_space<semaphore_mem>>
      tpu.enqueue_dma source(%arg3 : memref<128x16xf32, #tpu.memory_space<hbm>>) target(%arg6 : memref<128x16xf32, #tpu.memory_space<vmem>>) target_semaphore(%run_scoped3A : memref<!tpu.dma_semaphore, #tpu.memory_space<semaphore_mem>>)
      tpu.wait_dma2 semaphore(%run_scoped3A : memref<!tpu.dma_semaphore, #tpu.memory_space<semaphore_mem>>) src(%arg3 : memref<128x16xf32, #tpu.memory_space<hbm>>) dst(%arg6 : memref<128x16xf32, #tpu.memory_space<vmem>>)
      tpu.yield
    }) : () -> ()
    %mul3A_1 = arith.constant 640 : i32
    %mul3A_2 = arith.muli %arg1, %mul3A_1 : i32
    %add3A_3 = arith.constant 0 : i32
    %add3A_4 = arith.addi %mul3A_2, %add3A_3 : i32
    "tpu.region"() ({
      %run_scoped3A = tpu.sem_alloc : memref<!tpu.dma_semaphore, #tpu.memory_space<semaphore_mem>>
      %dma_start3A = arith.constant 0 : i32
      %dma_start3A_23 = tpu.memref_slice %arg5[%add3A_4, %dma_start3A] : memref<10240x16xf32, #tpu.memory_space<vmem_shared>> -> memref<128x16xf32, #tpu.memory_space<vmem_shared>>
      %dma_start3A_24 = arith.constant 0 : i32
      %dma_start3A_25 = tpu.memref_slice %arg5[%add3A_4, %dma_start3A_24] : memref<10240x16xf32, #tpu.memory_space<vmem_shared>> -> memref<128x16xf32, #tpu.memory_space<vmem_shared>>
      tpu.enqueue_dma source(%arg6 : memref<128x16xf32, #tpu.memory_space<vmem>>) target(%dma_start3A_25 : memref<128x16xf32, #tpu.memory_space<vmem_shared>>) target_semaphore(%run_scoped3A : memref<!tpu.dma_semaphore, #tpu.memory_space<semaphore_mem>>)
      %dma_wait3A = arith.constant 0 : i32
      %dma_wait3A_26 = tpu.memref_slice %arg5[%add3A_4, %dma_wait3A] : memref<10240x16xf32, #tpu.memory_space<vmem_shared>> -> memref<128x16xf32, #tpu.memory_space<vmem_shared>>
      %dma_wait3A_27 = arith.constant 0 : i32
      %dma_wait3A_28 = tpu.memref_slice %arg5[%add3A_4, %dma_wait3A_27] : memref<10240x16xf32, #tpu.memory_space<vmem_shared>> -> memref<128x16xf32, #tpu.memory_space<vmem_shared>>
      tpu.wait_dma2 semaphore(%run_scoped3A : memref<!tpu.dma_semaphore, #tpu.memory_space<semaphore_mem>>) src(%arg6 : memref<128x16xf32, #tpu.memory_space<vmem>>) dst(%dma_wait3A_28 : memref<128x16xf32, #tpu.memory_space<vmem_shared>>)
      tpu.yield
    }) : () -> ()
    %add3A_5 = arith.constant 128 : i32
    %add3A_6 = arith.addi %mul3A_2, %add3A_5 : i32
    "tpu.region"() ({
      %run_scoped3A = tpu.sem_alloc : memref<!tpu.dma_semaphore, #tpu.memory_space<semaphore_mem>>
      %dma_start3A = arith.constant 0 : i32
      %dma_start3A_23 = tpu.memref_slice %arg5[%add3A_6, %dma_start3A] : memref<10240x16xf32, #tpu.memory_space<vmem_shared>> -> memref<128x16xf32, #tpu.memory_space<vmem_shared>>
      %dma_start3A_24 = arith.constant 0 : i32
      %dma_start3A_25 = tpu.memref_slice %arg5[%add3A_6, %dma_start3A_24] : memref<10240x16xf32, #tpu.memory_space<vmem_shared>> -> memref<128x16xf32, #tpu.memory_space<vmem_shared>>
      tpu.enqueue_dma source(%arg6 : memref<128x16xf32, #tpu.memory_space<vmem>>) target(%dma_start3A_25 : memref<128x16xf32, #tpu.memory_space<vmem_shared>>) target_semaphore(%run_scoped3A : memref<!tpu.dma_semaphore, #tpu.memory_space<semaphore_mem>>)
      %dma_wait3A = arith.constant 0 : i32
      %dma_wait3A_26 = tpu.memref_slice %arg5[%add3A_6, %dma_wait3A] : memref<10240x16xf32, #tpu.memory_space<vmem_shared>> -> memref<128x16xf32, #tpu.memory_space<vmem_shared>>
      %dma_wait3A_27 = arith.constant 0 : i32
      %dma_wait3A_28 = tpu.memref_slice %arg5[%add3A_6, %dma_wait3A_27] : memref<10240x16xf32, #tpu.memory_space<vmem_shared>> -> memref<128x16xf32, #tpu.memory_space<vmem_shared>>
      tpu.wait_dma2 semaphore(%run_scoped3A : memref<!tpu.dma_semaphore, #tpu.memory_space<semaphore_mem>>) src(%arg6 : memref<128x16xf32, #tpu.memory_space<vmem>>) dst(%dma_wait3A_28 : memref<128x16xf32, #tpu.memory_space<vmem_shared>>)
      tpu.yield
    }) : () -> ()
    %add3A_7 = arith.constant 256 : i32
    %add3A_8 = arith.addi %mul3A_2, %add3A_7 : i32
    "tpu.region"() ({
      %run_scoped3A = tpu.sem_alloc : memref<!tpu.dma_semaphore, #tpu.memory_space<semaphore_mem>>
      %dma_start3A = arith.constant 0 : i32
      %dma_start3A_23 = tpu.memref_slice %arg5[%add3A_8, %dma_start3A] : memref<10240x16xf32, #tpu.memory_space<vmem_shared>> -> memref<128x16xf32, #tpu.memory_space<vmem_shared>>
      %dma_start3A_24 = arith.constant 0 : i32
      %dma_start3A_25 = tpu.memref_slice %arg5[%add3A_8, %dma_start3A_24] : memref<10240x16xf32, #tpu.memory_space<vmem_shared>> -> memref<128x16xf32, #tpu.memory_space<vmem_shared>>
      tpu.enqueue_dma source(%arg6 : memref<128x16xf32, #tpu.memory_space<vmem>>) target(%dma_start3A_25 : memref<128x16xf32, #tpu.memory_space<vmem_shared>>) target_semaphore(%run_scoped3A : memref<!tpu.dma_semaphore, #tpu.memory_space<semaphore_mem>>)
      %dma_wait3A = arith.constant 0 : i32
      %dma_wait3A_26 = tpu.memref_slice %arg5[%add3A_8, %dma_wait3A] : memref<10240x16xf32, #tpu.memory_space<vmem_shared>> -> memref<128x16xf32, #tpu.memory_space<vmem_shared>>
      %dma_wait3A_27 = arith.constant 0 : i32
      %dma_wait3A_28 = tpu.memref_slice %arg5[%add3A_8, %dma_wait3A_27] : memref<10240x16xf32, #tpu.memory_space<vmem_shared>> -> memref<128x16xf32, #tpu.memory_space<vmem_shared>>
      tpu.wait_dma2 semaphore(%run_scoped3A : memref<!tpu.dma_semaphore, #tpu.memory_space<semaphore_mem>>) src(%arg6 : memref<128x16xf32, #tpu.memory_space<vmem>>) dst(%dma_wait3A_28 : memref<128x16xf32, #tpu.memory_space<vmem_shared>>)
      tpu.yield
    }) : () -> ()
    %add3A_9 = arith.constant 384 : i32
    %add3A_10 = arith.addi %mul3A_2, %add3A_9 : i32
    "tpu.region"() ({
      %run_scoped3A = tpu.sem_alloc : memref<!tpu.dma_semaphore, #tpu.memory_space<semaphore_mem>>
      %dma_start3A = arith.constant 0 : i32
      %dma_start3A_23 = tpu.memref_slice %arg5[%add3A_10, %dma_start3A] : memref<10240x16xf32, #tpu.memory_space<vmem_shared>> -> memref<128x16xf32, #tpu.memory_space<vmem_shared>>
      %dma_start3A_24 = arith.constant 0 : i32
      %dma_start3A_25 = tpu.memref_slice %arg5[%add3A_10, %dma_start3A_24] : memref<10240x16xf32, #tpu.memory_space<vmem_shared>> -> memref<128x16xf32, #tpu.memory_space<vmem_shared>>
      tpu.enqueue_dma source(%arg6 : memref<128x16xf32, #tpu.memory_space<vmem>>) target(%dma_start3A_25 : memref<128x16xf32, #tpu.memory_space<vmem_shared>>) target_semaphore(%run_scoped3A : memref<!tpu.dma_semaphore, #tpu.memory_space<semaphore_mem>>)
      %dma_wait3A = arith.constant 0 : i32
      %dma_wait3A_26 = tpu.memref_slice %arg5[%add3A_10, %dma_wait3A] : memref<10240x16xf32, #tpu.memory_space<vmem_shared>> -> memref<128x16xf32, #tpu.memory_space<vmem_shared>>
      %dma_wait3A_27 = arith.constant 0 : i32
      %dma_wait3A_28 = tpu.memref_slice %arg5[%add3A_10, %dma_wait3A_27] : memref<10240x16xf32, #tpu.memory_space<vmem_shared>> -> memref<128x16xf32, #tpu.memory_space<vmem_shared>>
      tpu.wait_dma2 semaphore(%run_scoped3A : memref<!tpu.dma_semaphore, #tpu.memory_space<semaphore_mem>>) src(%arg6 : memref<128x16xf32, #tpu.memory_space<vmem>>) dst(%dma_wait3A_28 : memref<128x16xf32, #tpu.memory_space<vmem_shared>>)
      tpu.yield
    }) : () -> ()
    %add3A_11 = arith.constant 512 : i32
    %add3A_12 = arith.addi %mul3A_2, %add3A_11 : i32
    "tpu.region"() ({
      %run_scoped3A = tpu.sem_alloc : memref<!tpu.dma_semaphore, #tpu.memory_space<semaphore_mem>>
      %dma_start3A = arith.constant 0 : i32
      %dma_start3A_23 = tpu.memref_slice %arg5[%add3A_12, %dma_start3A] : memref<10240x16xf32, #tpu.memory_space<vmem_shared>> -> memref<128x16xf32, #tpu.memory_space<vmem_shared>>
      %dma_start3A_24 = arith.constant 0 : i32
      %dma_start3A_25 = tpu.memref_slice %arg5[%add3A_12, %dma_start3A_24] : memref<10240x16xf32, #tpu.memory_space<vmem_shared>> -> memref<128x16xf32, #tpu.memory_space<vmem_shared>>
      tpu.enqueue_dma source(%arg6 : memref<128x16xf32, #tpu.memory_space<vmem>>) target(%dma_start3A_25 : memref<128x16xf32, #tpu.memory_space<vmem_shared>>) target_semaphore(%run_scoped3A : memref<!tpu.dma_semaphore, #tpu.memory_space<semaphore_mem>>)
      %dma_wait3A = arith.constant 0 : i32
      %dma_wait3A_26 = tpu.memref_slice %arg5[%add3A_12, %dma_wait3A] : memref<10240x16xf32, #tpu.memory_space<vmem_shared>> -> memref<128x16xf32, #tpu.memory_space<vmem_shared>>
      %dma_wait3A_27 = arith.constant 0 : i32
      %dma_wait3A_28 = tpu.memref_slice %arg5[%add3A_12, %dma_wait3A_27] : memref<10240x16xf32, #tpu.memory_space<vmem_shared>> -> memref<128x16xf32, #tpu.memory_space<vmem_shared>>
      tpu.wait_dma2 semaphore(%run_scoped3A : memref<!tpu.dma_semaphore, #tpu.memory_space<semaphore_mem>>) src(%arg6 : memref<128x16xf32, #tpu.memory_space<vmem>>) dst(%dma_wait3A_28 : memref<128x16xf32, #tpu.memory_space<vmem_shared>>)
      tpu.yield
    }) : () -> ()
    %barrier3A = arith.constant 0 : index
    tpu.barrier barrier_id(%barrier3A)
    %mul3A_13 = arith.constant 10000 : i32
    %mul3A_14 = arith.muli %add3A, %mul3A_13 : i32
    %scan3A = arith.constant 0 : i32
    %scan3A_15 = arith.constant 0 : i32
    %scan3A_16 = arith.constant 78 : i32
    %scan3A_17 = arith.addi %scan3A_15, %scan3A_16 : i32
    %scan3A_18 = arith.constant 1 : i32
    scf.for %scan3A_23 = %scan3A_15 to %scan3A_17 step %scan3A_18  : i32 {
      %mul3A_24 = arith.constant 128 : i32
      %mul3A_25 = arith.muli %scan3A_23, %mul3A_24 : i32
      %add3A_26 = arith.addi %mul3A_14, %mul3A_25 : i32
      "tpu.region"() ({
        %run_scoped3A = tpu.sem_alloc : memref<!tpu.dma_semaphore, #tpu.memory_space<semaphore_mem>>
        %dma_start3A = tpu.memref_slice %arg2[%add3A_26] : memref<320000xi32, #tpu.memory_space<hbm>> -> memref<128xi32, #tpu.memory_space<hbm>>
        %dma_start3A_27 = tpu.memref_slice %arg2[%add3A_26] : memref<320000xi32, #tpu.memory_space<hbm>> -> memref<128xi32, #tpu.memory_space<hbm>>
        tpu.enqueue_dma source(%dma_start3A_27 : memref<128xi32, #tpu.memory_space<hbm>>) target(%arg7 : memref<128xi32, #tpu.memory_space<vmem>>) target_semaphore(%run_scoped3A : memref<!tpu.dma_semaphore, #tpu.memory_space<semaphore_mem>>)
        %dma_wait3A = tpu.memref_slice %arg2[%add3A_26] : memref<320000xi32, #tpu.memory_space<hbm>> -> memref<128xi32, #tpu.memory_space<hbm>>
        %dma_wait3A_28 = tpu.memref_slice %arg2[%add3A_26] : memref<320000xi32, #tpu.memory_space<hbm>> -> memref<128xi32, #tpu.memory_space<hbm>>
        tpu.wait_dma2 semaphore(%run_scoped3A : memref<!tpu.dma_semaphore, #tpu.memory_space<semaphore_mem>>) src(%dma_wait3A_28 : memref<128xi32, #tpu.memory_space<hbm>>) dst(%arg7 : memref<128xi32, #tpu.memory_space<vmem>>)
        tpu.yield
      }) : () -> ()
      "tpu.region"() ({
        %run_scoped3A = tpu.sem_alloc : memref<!tpu.dma_semaphore, #tpu.memory_space<semaphore_mem>>
        %dma_start3A = arith.constant 0 : i32
        %dma_start3A_27 = arith.constant 0 : i32
        %dma_start3A_28 = tpu.memref_slice %arg5[%dma_start3A, %dma_start3A_27] : memref<10240x16xf32, #tpu.memory_space<vmem_shared>> -> memref<10240x16xf32, #tpu.memory_space<vmem_shared>>
        tpu.enqueue_indirect_dma source(%arg6 : memref<128x16xf32, #tpu.memory_space<vmem>>) target(%dma_start3A_28 : memref<10240x16xf32, #tpu.memory_space<vmem_shared>>) offsets(%arg7 : memref<128xi32, #tpu.memory_space<vmem>>) semaphore(%run_scoped3A : memref<!tpu.dma_semaphore, #tpu.memory_space<semaphore_mem>>) {add = true}
        %dma_wait3A = arith.constant 0 : i32
        %dma_wait3A_29 = arith.constant 0 : i32
        %dma_wait3A_30 = tpu.memref_slice %arg5[%dma_wait3A, %dma_wait3A_29] : memref<10240x16xf32, #tpu.memory_space<vmem_shared>> -> memref<10240x16xf32, #tpu.memory_space<vmem_shared>>
        tpu.wait_indirect_dma semaphore(%run_scoped3A : memref<!tpu.dma_semaphore, #tpu.memory_space<semaphore_mem>>) src(%arg6 : memref<128x16xf32, #tpu.memory_space<vmem>>) dst(%dma_wait3A_30 : memref<10240x16xf32, #tpu.memory_space<vmem_shared>>)
        tpu.yield
      }) : () -> ()
    }
    %scan3A_19 = arith.constant 78 : i32
    %add3A_20 = arith.constant 9984 : i32
    %add3A_21 = arith.addi %mul3A_14, %add3A_20 : i32
    "tpu.region"() ({
      %run_scoped3A = tpu.sem_alloc : memref<!tpu.dma_semaphore, #tpu.memory_space<semaphore_mem>>
      %dma_start3A = tpu.memref_slice %arg2[%add3A_21] : memref<320000xi32, #tpu.memory_space<hbm>> -> memref<16xi32, #tpu.memory_space<hbm>>
      %dma_start3A_23 = tpu.memref_slice %arg2[%add3A_21] : memref<320000xi32, #tpu.memory_space<hbm>> -> memref<16xi32, #tpu.memory_space<hbm>>
      tpu.enqueue_dma source(%dma_start3A_23 : memref<16xi32, #tpu.memory_space<hbm>>) target(%arg8 : memref<16xi32, #tpu.memory_space<vmem>>) target_semaphore(%run_scoped3A : memref<!tpu.dma_semaphore, #tpu.memory_space<semaphore_mem>>)
      %dma_wait3A = tpu.memref_slice %arg2[%add3A_21] : memref<320000xi32, #tpu.memory_space<hbm>> -> memref<16xi32, #tpu.memory_space<hbm>>
      %dma_wait3A_24 = tpu.memref_slice %arg2[%add3A_21] : memref<320000xi32, #tpu.memory_space<hbm>> -> memref<16xi32, #tpu.memory_space<hbm>>
      tpu.wait_dma2 semaphore(%run_scoped3A : memref<!tpu.dma_semaphore, #tpu.memory_space<semaphore_mem>>) src(%dma_wait3A_24 : memref<16xi32, #tpu.memory_space<hbm>>) dst(%arg8 : memref<16xi32, #tpu.memory_space<vmem>>)
      tpu.yield
    }) : () -> ()
    "tpu.region"() ({
      %run_scoped3A = tpu.sem_alloc : memref<!tpu.dma_semaphore, #tpu.memory_space<semaphore_mem>>
      %dma_start3A = arith.constant 0 : i32
      %dma_start3A_23 = arith.constant 0 : i32
      %dma_start3A_24 = tpu.memref_slice %arg6[%dma_start3A, %dma_start3A_23] : memref<128x16xf32, #tpu.memory_space<vmem>> -> memref<16x16xf32, #tpu.memory_space<vmem>>
      %dma_start3A_25 = arith.constant 0 : i32
      %dma_start3A_26 = arith.constant 0 : i32
      %dma_start3A_27 = tpu.memref_slice %arg5[%dma_start3A_25, %dma_start3A_26] : memref<10240x16xf32, #tpu.memory_space<vmem_shared>> -> memref<10240x16xf32, #tpu.memory_space<vmem_shared>>
      tpu.enqueue_indirect_dma source(%dma_start3A_24 : memref<16x16xf32, #tpu.memory_space<vmem>>) target(%dma_start3A_27 : memref<10240x16xf32, #tpu.memory_space<vmem_shared>>) offsets(%arg8 : memref<16xi32, #tpu.memory_space<vmem>>) semaphore(%run_scoped3A : memref<!tpu.dma_semaphore, #tpu.memory_space<semaphore_mem>>) {add = true}
      %dma_wait3A = arith.constant 0 : i32
      %dma_wait3A_28 = arith.constant 0 : i32
      %dma_wait3A_29 = tpu.memref_slice %arg6[%dma_wait3A, %dma_wait3A_28] : memref<128x16xf32, #tpu.memory_space<vmem>> -> memref<16x16xf32, #tpu.memory_space<vmem>>
      %dma_wait3A_30 = arith.constant 0 : i32
      %dma_wait3A_31 = arith.constant 0 : i32
      %dma_wait3A_32 = tpu.memref_slice %arg5[%dma_wait3A_30, %dma_wait3A_31] : memref<10240x16xf32, #tpu.memory_space<vmem_shared>> -> memref<10240x16xf32, #tpu.memory_space<vmem_shared>>
      tpu.wait_indirect_dma semaphore(%run_scoped3A : memref<!tpu.dma_semaphore, #tpu.memory_space<semaphore_mem>>) src(%dma_wait3A_29 : memref<16x16xf32, #tpu.memory_space<vmem>>) dst(%dma_wait3A_32 : memref<10240x16xf32, #tpu.memory_space<vmem_shared>>)
      tpu.yield
    }) : () -> ()
    %barrier3A_22 = arith.constant 0 : index
    tpu.barrier barrier_id(%barrier3A_22)
    "tpu.region"() ({
      %run_scoped3A = tpu.sem_alloc : memref<!tpu.dma_semaphore, #tpu.memory_space<semaphore_mem>>
      %dma_start3A = arith.constant 0 : i32
      %dma_start3A_23 = tpu.memref_slice %arg4[%arg0, %mul3A_2, %dma_start3A] : memref<2x10240x16xf32, #tpu.memory_space<hbm>> -> memref<1x640x16xf32, #tpu.memory_space<hbm>>
      %dma_start3A_24 = tpu.memref_squeeze %dma_start3A_23 : memref<1x640x16xf32, #tpu.memory_space<hbm>> -> memref<640x16xf32, #tpu.memory_space<hbm>>
      %dma_start3A_25 = arith.constant 0 : i32
      %dma_start3A_26 = tpu.memref_slice %arg5[%mul3A_2, %dma_start3A_25] : memref<10240x16xf32, #tpu.memory_space<vmem_shared>> -> memref<640x16xf32, #tpu.memory_space<vmem_shared>>
      tpu.enqueue_dma source(%dma_start3A_26 : memref<640x16xf32, #tpu.memory_space<vmem_shared>>) target(%dma_start3A_24 : memref<640x16xf32, #tpu.memory_space<hbm>>) target_semaphore(%run_scoped3A : memref<!tpu.dma_semaphore, #tpu.memory_space<semaphore_mem>>)
      %dma_wait3A = arith.constant 0 : i32
      %dma_wait3A_27 = tpu.memref_slice %arg4[%arg0, %mul3A_2, %dma_wait3A] : memref<2x10240x16xf32, #tpu.memory_space<hbm>> -> memref<1x640x16xf32, #tpu.memory_space<hbm>>
      %dma_wait3A_28 = tpu.memref_squeeze %dma_wait3A_27 : memref<1x640x16xf32, #tpu.memory_space<hbm>> -> memref<640x16xf32, #tpu.memory_space<hbm>>
      %dma_wait3A_29 = arith.constant 0 : i32
      %dma_wait3A_30 = tpu.memref_slice %arg5[%mul3A_2, %dma_wait3A_29] : memref<10240x16xf32, #tpu.memory_space<vmem_shared>> -> memref<640x16xf32, #tpu.memory_space<vmem_shared>>
      tpu.wait_dma2 semaphore(%run_scoped3A : memref<!tpu.dma_semaphore, #tpu.memory_space<semaphore_mem>>) src(%dma_wait3A_30 : memref<640x16xf32, #tpu.memory_space<vmem_shared>>) dst(%dma_wait3A_28 : memref<640x16xf32, #tpu.memory_space<hbm>>)
      tpu.yield
    }) : () -> ()
    return
  }
}

#map = affine_map<(d0, d1) -> (0, 0)>
#map1 = affine_map<(d0, d1) -> (0)>
#map2 = affine_map<(d0, d1) -> (0, 0, 0)>
module attributes {stable_mosaic.version = 14 : i64} {
  func.func @k(%arg0: i32, %arg1: i32, %arg2: memref<10240x128xf32, #tpu.memory_space<hbm>>, %arg3: memref<320000xi32, #tpu.memory_space<hbm>>, %arg4: memref<320000xi32, #tpu.memory_space<hbm>>, %arg5: memref<2x10240x128xf32, #tpu.memory_space<hbm>>, %arg6: memref<10240x128xf32, #tpu.memory_space<vmem_shared>>, %arg7: memref<128xi32, #tpu.memory_space<vmem>>, %arg8: memref<128xi32, #tpu.memory_space<vmem>>, %arg9: memref<128x128xf32, #tpu.memory_space<vmem>>, %arg10: memref<16xi32, #tpu.memory_space<vmem>>, %arg11: memref<16xi32, #tpu.memory_space<vmem>>, %arg12: memref<16x128xf32, #tpu.memory_space<vmem>>, %arg13: memref<!tpu.dma_semaphore, #tpu.memory_space<semaphore_mem>>) attributes {dimension_semantics = [#tpu.dimension_semantics<core_parallel>, #tpu.dimension_semantics<subcore_parallel>], iteration_bounds = array<i64: 2, 16>, scalar_prefetch = 0 : i64, scratch_operands = 8 : i64, tpu.core_type = #tpu.core_type<sc_vector_subcore>, window_params = [{transform_indices = #map}, {transform_indices = #map1}, {transform_indices = #map1}, {transform_indices = #map2}]} {
    %mul3A = arith.constant 2 : i32
    %mul3A_0 = arith.muli %arg1, %mul3A : i32
    %add3A = arith.addi %mul3A_0, %arg0 : i32
    %mul3A_1 = arith.constant 640 : i32
    %mul3A_2 = arith.muli %arg1, %mul3A_1 : i32
    %mul3A_3 = arith.constant 640 : i32
    %mul3A_4 = arith.muli %arg1, %mul3A_3 : i32
    "tpu.region"() ({
      %run_scoped3A = tpu.sem_alloc : memref<!tpu.dma_semaphore, #tpu.memory_space<semaphore_mem>>
      %dma_start3A_21 = arith.constant 0 : i32
      %dma_start3A_22 = tpu.memref_slice %arg6[%mul3A_4, %dma_start3A_21] : memref<10240x128xf32, #tpu.memory_space<vmem_shared>> -> memref<640x128xf32, #tpu.memory_space<vmem_shared>>
      %dma_start3A_23 = arith.constant 0 : i32
      %dma_start3A_24 = tpu.memref_slice %arg2[%mul3A_2, %dma_start3A_23] : memref<10240x128xf32, #tpu.memory_space<hbm>> -> memref<640x128xf32, #tpu.memory_space<hbm>>
      tpu.enqueue_dma source(%dma_start3A_24 : memref<640x128xf32, #tpu.memory_space<hbm>>) target(%dma_start3A_22 : memref<640x128xf32, #tpu.memory_space<vmem_shared>>) target_semaphore(%run_scoped3A : memref<!tpu.dma_semaphore, #tpu.memory_space<semaphore_mem>>)
      %dma_wait3A_25 = arith.constant 0 : i32
      %dma_wait3A_26 = tpu.memref_slice %arg6[%mul3A_4, %dma_wait3A_25] : memref<10240x128xf32, #tpu.memory_space<vmem_shared>> -> memref<640x128xf32, #tpu.memory_space<vmem_shared>>
      %dma_wait3A_27 = arith.constant 0 : i32
      %dma_wait3A_28 = tpu.memref_slice %arg2[%mul3A_2, %dma_wait3A_27] : memref<10240x128xf32, #tpu.memory_space<hbm>> -> memref<640x128xf32, #tpu.memory_space<hbm>>
      tpu.wait_dma2 semaphore(%run_scoped3A : memref<!tpu.dma_semaphore, #tpu.memory_space<semaphore_mem>>) src(%dma_wait3A_28 : memref<640x128xf32, #tpu.memory_space<hbm>>) dst(%dma_wait3A_26 : memref<640x128xf32, #tpu.memory_space<vmem_shared>>)
      tpu.yield
    }) : () -> ()
    %barrier3A = arith.constant 0 : index
    tpu.barrier barrier_id(%barrier3A)
    %mul3A_5 = arith.constant 10000 : i32
    %mul3A_6 = arith.muli %add3A, %mul3A_5 : i32
    %scan3A = arith.constant 0 : i32
    %scan3A_7 = arith.constant 0 : i32
    %scan3A_8 = arith.constant 78 : i32
    %scan3A_9 = arith.addi %scan3A_7, %scan3A_8 : i32
    %scan3A_10 = arith.constant 1 : i32
    scf.for %scan3A_21 = %scan3A_7 to %scan3A_9 step %scan3A_10  : i32 {
      %mul3A_22 = arith.constant 128 : i32
      %mul3A_23 = arith.muli %scan3A_21, %mul3A_22 : i32
      %add3A_24 = arith.addi %mul3A_6, %mul3A_23 : i32
      "tpu.region"() ({
        %run_scoped3A = tpu.sem_alloc : memref<!tpu.dma_semaphore, #tpu.memory_space<semaphore_mem>>
        %dma_start3A_31 = tpu.memref_slice %arg3[%add3A_24] : memref<320000xi32, #tpu.memory_space<hbm>> -> memref<128xi32, #tpu.memory_space<hbm>>
        %dma_start3A_32 = tpu.memref_slice %arg3[%add3A_24] : memref<320000xi32, #tpu.memory_space<hbm>> -> memref<128xi32, #tpu.memory_space<hbm>>
        tpu.enqueue_dma source(%dma_start3A_32 : memref<128xi32, #tpu.memory_space<hbm>>) target(%arg7 : memref<128xi32, #tpu.memory_space<vmem>>) target_semaphore(%run_scoped3A : memref<!tpu.dma_semaphore, #tpu.memory_space<semaphore_mem>>)
        %dma_wait3A_33 = tpu.memref_slice %arg3[%add3A_24] : memref<320000xi32, #tpu.memory_space<hbm>> -> memref<128xi32, #tpu.memory_space<hbm>>
        %dma_wait3A_34 = tpu.memref_slice %arg3[%add3A_24] : memref<320000xi32, #tpu.memory_space<hbm>> -> memref<128xi32, #tpu.memory_space<hbm>>
        tpu.wait_dma2 semaphore(%run_scoped3A : memref<!tpu.dma_semaphore, #tpu.memory_space<semaphore_mem>>) src(%dma_wait3A_34 : memref<128xi32, #tpu.memory_space<hbm>>) dst(%arg7 : memref<128xi32, #tpu.memory_space<vmem>>)
        tpu.yield
      }) : () -> ()
      "tpu.region"() ({
        %run_scoped3A = tpu.sem_alloc : memref<!tpu.dma_semaphore, #tpu.memory_space<semaphore_mem>>
        %dma_start3A_31 = tpu.memref_slice %arg4[%add3A_24] : memref<320000xi32, #tpu.memory_space<hbm>> -> memref<128xi32, #tpu.memory_space<hbm>>
        %dma_start3A_32 = tpu.memref_slice %arg4[%add3A_24] : memref<320000xi32, #tpu.memory_space<hbm>> -> memref<128xi32, #tpu.memory_space<hbm>>
        tpu.enqueue_dma source(%dma_start3A_32 : memref<128xi32, #tpu.memory_space<hbm>>) target(%arg8 : memref<128xi32, #tpu.memory_space<vmem>>) target_semaphore(%run_scoped3A : memref<!tpu.dma_semaphore, #tpu.memory_space<semaphore_mem>>)
        %dma_wait3A_33 = tpu.memref_slice %arg4[%add3A_24] : memref<320000xi32, #tpu.memory_space<hbm>> -> memref<128xi32, #tpu.memory_space<hbm>>
        %dma_wait3A_34 = tpu.memref_slice %arg4[%add3A_24] : memref<320000xi32, #tpu.memory_space<hbm>> -> memref<128xi32, #tpu.memory_space<hbm>>
        tpu.wait_dma2 semaphore(%run_scoped3A : memref<!tpu.dma_semaphore, #tpu.memory_space<semaphore_mem>>) src(%dma_wait3A_34 : memref<128xi32, #tpu.memory_space<hbm>>) dst(%arg8 : memref<128xi32, #tpu.memory_space<vmem>>)
        tpu.yield
      }) : () -> ()
      %dma_start3A_25 = arith.constant 0 : i32
      %dma_start3A_26 = arith.constant 0 : i32
      %dma_start3A_27 = tpu.memref_slice %arg2[%dma_start3A_25, %dma_start3A_26] : memref<10240x128xf32, #tpu.memory_space<hbm>> -> memref<10240x128xf32, #tpu.memory_space<hbm>>
      tpu.enqueue_indirect_dma source(%dma_start3A_27 : memref<10240x128xf32, #tpu.memory_space<hbm>>) target(%arg9 : memref<128x128xf32, #tpu.memory_space<vmem>>) offsets(%arg7 : memref<128xi32, #tpu.memory_space<vmem>>) semaphore(%arg13 : memref<!tpu.dma_semaphore, #tpu.memory_space<semaphore_mem>>)
      %dma_wait3A_28 = arith.constant 0 : i32
      %dma_wait3A_29 = arith.constant 0 : i32
      %dma_wait3A_30 = tpu.memref_slice %arg2[%dma_wait3A_28, %dma_wait3A_29] : memref<10240x128xf32, #tpu.memory_space<hbm>> -> memref<10240x128xf32, #tpu.memory_space<hbm>>
      tpu.wait_indirect_dma semaphore(%arg13 : memref<!tpu.dma_semaphore, #tpu.memory_space<semaphore_mem>>) src(%dma_wait3A_30 : memref<10240x128xf32, #tpu.memory_space<hbm>>) dst(%arg9 : memref<128x128xf32, #tpu.memory_space<vmem>>)
      "tpu.region"() ({
        %run_scoped3A = tpu.sem_alloc : memref<!tpu.dma_semaphore, #tpu.memory_space<semaphore_mem>>
        %dma_start3A_31 = arith.constant 0 : i32
        %dma_start3A_32 = arith.constant 0 : i32
        %dma_start3A_33 = tpu.memref_slice %arg6[%dma_start3A_31, %dma_start3A_32] : memref<10240x128xf32, #tpu.memory_space<vmem_shared>> -> memref<10240x128xf32, #tpu.memory_space<vmem_shared>>
        tpu.enqueue_indirect_dma source(%arg9 : memref<128x128xf32, #tpu.memory_space<vmem>>) target(%dma_start3A_33 : memref<10240x128xf32, #tpu.memory_space<vmem_shared>>) offsets(%arg8 : memref<128xi32, #tpu.memory_space<vmem>>) semaphore(%run_scoped3A : memref<!tpu.dma_semaphore, #tpu.memory_space<semaphore_mem>>) {add = true}
        %dma_wait3A_34 = arith.constant 0 : i32
        %dma_wait3A_35 = arith.constant 0 : i32
        %dma_wait3A_36 = tpu.memref_slice %arg6[%dma_wait3A_34, %dma_wait3A_35] : memref<10240x128xf32, #tpu.memory_space<vmem_shared>> -> memref<10240x128xf32, #tpu.memory_space<vmem_shared>>
        tpu.wait_indirect_dma semaphore(%run_scoped3A : memref<!tpu.dma_semaphore, #tpu.memory_space<semaphore_mem>>) src(%arg9 : memref<128x128xf32, #tpu.memory_space<vmem>>) dst(%dma_wait3A_36 : memref<10240x128xf32, #tpu.memory_space<vmem_shared>>)
        tpu.yield
      }) : () -> ()
    }
    %scan3A_11 = arith.constant 78 : i32
    %add3A_12 = arith.constant 9984 : i32
    %add3A_13 = arith.addi %mul3A_6, %add3A_12 : i32
    "tpu.region"() ({
      %run_scoped3A = tpu.sem_alloc : memref<!tpu.dma_semaphore, #tpu.memory_space<semaphore_mem>>
      %dma_start3A_21 = tpu.memref_slice %arg3[%add3A_13] : memref<320000xi32, #tpu.memory_space<hbm>> -> memref<16xi32, #tpu.memory_space<hbm>>
      %dma_start3A_22 = tpu.memref_slice %arg3[%add3A_13] : memref<320000xi32, #tpu.memory_space<hbm>> -> memref<16xi32, #tpu.memory_space<hbm>>
      tpu.enqueue_dma source(%dma_start3A_22 : memref<16xi32, #tpu.memory_space<hbm>>) target(%arg10 : memref<16xi32, #tpu.memory_space<vmem>>) target_semaphore(%run_scoped3A : memref<!tpu.dma_semaphore, #tpu.memory_space<semaphore_mem>>)
      %dma_wait3A_23 = tpu.memref_slice %arg3[%add3A_13] : memref<320000xi32, #tpu.memory_space<hbm>> -> memref<16xi32, #tpu.memory_space<hbm>>
      %dma_wait3A_24 = tpu.memref_slice %arg3[%add3A_13] : memref<320000xi32, #tpu.memory_space<hbm>> -> memref<16xi32, #tpu.memory_space<hbm>>
      tpu.wait_dma2 semaphore(%run_scoped3A : memref<!tpu.dma_semaphore, #tpu.memory_space<semaphore_mem>>) src(%dma_wait3A_24 : memref<16xi32, #tpu.memory_space<hbm>>) dst(%arg10 : memref<16xi32, #tpu.memory_space<vmem>>)
      tpu.yield
    }) : () -> ()
    "tpu.region"() ({
      %run_scoped3A = tpu.sem_alloc : memref<!tpu.dma_semaphore, #tpu.memory_space<semaphore_mem>>
      %dma_start3A_21 = tpu.memref_slice %arg4[%add3A_13] : memref<320000xi32, #tpu.memory_space<hbm>> -> memref<16xi32, #tpu.memory_space<hbm>>
      %dma_start3A_22 = tpu.memref_slice %arg4[%add3A_13] : memref<320000xi32, #tpu.memory_space<hbm>> -> memref<16xi32, #tpu.memory_space<hbm>>
      tpu.enqueue_dma source(%dma_start3A_22 : memref<16xi32, #tpu.memory_space<hbm>>) target(%arg11 : memref<16xi32, #tpu.memory_space<vmem>>) target_semaphore(%run_scoped3A : memref<!tpu.dma_semaphore, #tpu.memory_space<semaphore_mem>>)
      %dma_wait3A_23 = tpu.memref_slice %arg4[%add3A_13] : memref<320000xi32, #tpu.memory_space<hbm>> -> memref<16xi32, #tpu.memory_space<hbm>>
      %dma_wait3A_24 = tpu.memref_slice %arg4[%add3A_13] : memref<320000xi32, #tpu.memory_space<hbm>> -> memref<16xi32, #tpu.memory_space<hbm>>
      tpu.wait_dma2 semaphore(%run_scoped3A : memref<!tpu.dma_semaphore, #tpu.memory_space<semaphore_mem>>) src(%dma_wait3A_24 : memref<16xi32, #tpu.memory_space<hbm>>) dst(%arg11 : memref<16xi32, #tpu.memory_space<vmem>>)
      tpu.yield
    }) : () -> ()
    %dma_start3A = arith.constant 0 : i32
    %dma_start3A_14 = arith.constant 0 : i32
    %dma_start3A_15 = tpu.memref_slice %arg2[%dma_start3A, %dma_start3A_14] : memref<10240x128xf32, #tpu.memory_space<hbm>> -> memref<10240x128xf32, #tpu.memory_space<hbm>>
    tpu.enqueue_indirect_dma source(%dma_start3A_15 : memref<10240x128xf32, #tpu.memory_space<hbm>>) target(%arg12 : memref<16x128xf32, #tpu.memory_space<vmem>>) offsets(%arg10 : memref<16xi32, #tpu.memory_space<vmem>>) semaphore(%arg13 : memref<!tpu.dma_semaphore, #tpu.memory_space<semaphore_mem>>)
    %dma_wait3A = arith.constant 0 : i32
    %dma_wait3A_16 = arith.constant 0 : i32
    %dma_wait3A_17 = tpu.memref_slice %arg2[%dma_wait3A, %dma_wait3A_16] : memref<10240x128xf32, #tpu.memory_space<hbm>> -> memref<10240x128xf32, #tpu.memory_space<hbm>>
    tpu.wait_indirect_dma semaphore(%arg13 : memref<!tpu.dma_semaphore, #tpu.memory_space<semaphore_mem>>) src(%dma_wait3A_17 : memref<10240x128xf32, #tpu.memory_space<hbm>>) dst(%arg12 : memref<16x128xf32, #tpu.memory_space<vmem>>)
    "tpu.region"() ({
      %run_scoped3A = tpu.sem_alloc : memref<!tpu.dma_semaphore, #tpu.memory_space<semaphore_mem>>
      %dma_start3A_21 = arith.constant 0 : i32
      %dma_start3A_22 = arith.constant 0 : i32
      %dma_start3A_23 = tpu.memref_slice %arg6[%dma_start3A_21, %dma_start3A_22] : memref<10240x128xf32, #tpu.memory_space<vmem_shared>> -> memref<10240x128xf32, #tpu.memory_space<vmem_shared>>
      tpu.enqueue_indirect_dma source(%arg12 : memref<16x128xf32, #tpu.memory_space<vmem>>) target(%dma_start3A_23 : memref<10240x128xf32, #tpu.memory_space<vmem_shared>>) offsets(%arg11 : memref<16xi32, #tpu.memory_space<vmem>>) semaphore(%run_scoped3A : memref<!tpu.dma_semaphore, #tpu.memory_space<semaphore_mem>>) {add = true}
      %dma_wait3A_24 = arith.constant 0 : i32
      %dma_wait3A_25 = arith.constant 0 : i32
      %dma_wait3A_26 = tpu.memref_slice %arg6[%dma_wait3A_24, %dma_wait3A_25] : memref<10240x128xf32, #tpu.memory_space<vmem_shared>> -> memref<10240x128xf32, #tpu.memory_space<vmem_shared>>
      tpu.wait_indirect_dma semaphore(%run_scoped3A : memref<!tpu.dma_semaphore, #tpu.memory_space<semaphore_mem>>) src(%arg12 : memref<16x128xf32, #tpu.memory_space<vmem>>) dst(%dma_wait3A_26 : memref<10240x128xf32, #tpu.memory_space<vmem_shared>>)
      tpu.yield
    }) : () -> ()
    %barrier3A_18 = arith.constant 0 : index
    tpu.barrier barrier_id(%barrier3A_18)
    %mul3A_19 = arith.constant 640 : i32
    %mul3A_20 = arith.muli %arg1, %mul3A_19 : i32
    "tpu.region"() ({
      %run_scoped3A = tpu.sem_alloc : memref<!tpu.dma_semaphore, #tpu.memory_space<semaphore_mem>>
      %dma_start3A_21 = arith.constant 0 : i32
      %dma_start3A_22 = tpu.memref_slice %arg5[%arg0, %mul3A_20, %dma_start3A_21] : memref<2x10240x128xf32, #tpu.memory_space<hbm>> -> memref<1x640x128xf32, #tpu.memory_space<hbm>>
      %dma_start3A_23 = tpu.memref_squeeze %dma_start3A_22 : memref<1x640x128xf32, #tpu.memory_space<hbm>> -> memref<640x128xf32, #tpu.memory_space<hbm>>
      %dma_start3A_24 = arith.constant 0 : i32
      %dma_start3A_25 = tpu.memref_slice %arg6[%mul3A_20, %dma_start3A_24] : memref<10240x128xf32, #tpu.memory_space<vmem_shared>> -> memref<640x128xf32, #tpu.memory_space<vmem_shared>>
      tpu.enqueue_dma source(%dma_start3A_25 : memref<640x128xf32, #tpu.memory_space<vmem_shared>>) target(%dma_start3A_23 : memref<640x128xf32, #tpu.memory_space<hbm>>) target_semaphore(%run_scoped3A : memref<!tpu.dma_semaphore, #tpu.memory_space<semaphore_mem>>)
      %dma_wait3A_26 = arith.constant 0 : i32
      %dma_wait3A_27 = tpu.memref_slice %arg5[%arg0, %mul3A_20, %dma_wait3A_26] : memref<2x10240x128xf32, #tpu.memory_space<hbm>> -> memref<1x640x128xf32, #tpu.memory_space<hbm>>
      %dma_wait3A_28 = tpu.memref_squeeze %dma_wait3A_27 : memref<1x640x128xf32, #tpu.memory_space<hbm>> -> memref<640x128xf32, #tpu.memory_space<hbm>>
      %dma_wait3A_29 = arith.constant 0 : i32
      %dma_wait3A_30 = tpu.memref_slice %arg6[%mul3A_20, %dma_wait3A_29] : memref<10240x128xf32, #tpu.memory_space<vmem_shared>> -> memref<640x128xf32, #tpu.memory_space<vmem_shared>>
      tpu.wait_dma2 semaphore(%run_scoped3A : memref<!tpu.dma_semaphore, #tpu.memory_space<semaphore_mem>>) src(%dma_wait3A_30 : memref<640x128xf32, #tpu.memory_space<vmem_shared>>) dst(%dma_wait3A_28 : memref<640x128xf32, #tpu.memory_space<hbm>>)
      tpu.yield
    }) : () -> ()
    return
  }
}

#map = affine_map<(d0, d1) -> (0, 0)>
#map1 = affine_map<(d0, d1) -> (0)>
#map2 = affine_map<(d0, d1) -> (0, 0, 0)>
module attributes {stable_mosaic.version = 14 : i64} {
  func.func @k(%arg0: i32, %arg1: i32, %arg2: memref<10240x128xf32, #tpu.memory_space<hbm>>, %arg3: memref<320000xi32, #tpu.memory_space<hbm>>, %arg4: memref<320000xi32, #tpu.memory_space<hbm>>, %arg5: memref<2x10240x128xf32, #tpu.memory_space<hbm>>, %arg6: memref<10240x128xf32, #tpu.memory_space<vmem_shared>>, %arg7: memref<128xi32, #tpu.memory_space<vmem>>, %arg8: memref<128xi32, #tpu.memory_space<vmem>>, %arg9: memref<128x128xf32, #tpu.memory_space<vmem>>, %arg10: memref<16xi32, #tpu.memory_space<vmem>>, %arg11: memref<16xi32, #tpu.memory_space<vmem>>, %arg12: memref<16x128xf32, #tpu.memory_space<vmem>>, %arg13: memref<!tpu.dma_semaphore, #tpu.memory_space<semaphore_mem>>) attributes {dimension_semantics = [#tpu.dimension_semantics<core_parallel>, #tpu.dimension_semantics<subcore_parallel>], iteration_bounds = array<i64: 2, 16>, scalar_prefetch = 0 : i64, scratch_operands = 8 : i64, tpu.core_type = #tpu.core_type<sc_vector_subcore>, window_params = [{transform_indices = #map}, {transform_indices = #map1}, {transform_indices = #map1}, {transform_indices = #map2}]} {
    %mul3A = arith.constant 2 : i32
    %mul3A_0 = arith.muli %arg1, %mul3A : i32
    %add3A = arith.addi %mul3A_0, %arg0 : i32
    %mul3A_1 = arith.constant 640 : i32
    %mul3A_2 = arith.muli %arg1, %mul3A_1 : i32
    %mul3A_3 = arith.constant 640 : i32
    %mul3A_4 = arith.muli %arg1, %mul3A_3 : i32
    "tpu.region"() ({
      %run_scoped3A = tpu.sem_alloc : memref<!tpu.dma_semaphore, #tpu.memory_space<semaphore_mem>>
      %dma_start3A_21 = arith.constant 0 : i32
      %dma_start3A_22 = tpu.memref_slice %arg6[%mul3A_4, %dma_start3A_21] : memref<10240x128xf32, #tpu.memory_space<vmem_shared>> -> memref<640x128xf32, #tpu.memory_space<vmem_shared>>
      %dma_start3A_23 = arith.constant 0 : i32
      %dma_start3A_24 = tpu.memref_slice %arg2[%mul3A_2, %dma_start3A_23] : memref<10240x128xf32, #tpu.memory_space<hbm>> -> memref<640x128xf32, #tpu.memory_space<hbm>>
      tpu.enqueue_dma source(%dma_start3A_24 : memref<640x128xf32, #tpu.memory_space<hbm>>) target(%dma_start3A_22 : memref<640x128xf32, #tpu.memory_space<vmem_shared>>) target_semaphore(%run_scoped3A : memref<!tpu.dma_semaphore, #tpu.memory_space<semaphore_mem>>)
      %dma_wait3A_25 = arith.constant 0 : i32
      %dma_wait3A_26 = tpu.memref_slice %arg6[%mul3A_4, %dma_wait3A_25] : memref<10240x128xf32, #tpu.memory_space<vmem_shared>> -> memref<640x128xf32, #tpu.memory_space<vmem_shared>>
      %dma_wait3A_27 = arith.constant 0 : i32
      %dma_wait3A_28 = tpu.memref_slice %arg2[%mul3A_2, %dma_wait3A_27] : memref<10240x128xf32, #tpu.memory_space<hbm>> -> memref<640x128xf32, #tpu.memory_space<hbm>>
      tpu.wait_dma2 semaphore(%run_scoped3A : memref<!tpu.dma_semaphore, #tpu.memory_space<semaphore_mem>>) src(%dma_wait3A_28 : memref<640x128xf32, #tpu.memory_space<hbm>>) dst(%dma_wait3A_26 : memref<640x128xf32, #tpu.memory_space<vmem_shared>>)
      tpu.yield
    }) : () -> ()
    %barrier3A = arith.constant 0 : index
    tpu.barrier barrier_id(%barrier3A)
    %mul3A_5 = arith.constant 10000 : i32
    %mul3A_6 = arith.muli %add3A, %mul3A_5 : i32
    %scan3A = arith.constant 0 : i32
    %scan3A_7 = arith.constant 0 : i32
    %scan3A_8 = arith.constant 78 : i32
    %scan3A_9 = arith.addi %scan3A_7, %scan3A_8 : i32
    %scan3A_10 = arith.constant 1 : i32
    scf.for %scan3A_21 = %scan3A_7 to %scan3A_9 step %scan3A_10  : i32 {
      %mul3A_22 = arith.constant 128 : i32
      %mul3A_23 = arith.muli %scan3A_21, %mul3A_22 : i32
      %add3A_24 = arith.addi %mul3A_6, %mul3A_23 : i32
      "tpu.region"() ({
        %run_scoped3A = tpu.sem_alloc : memref<!tpu.dma_semaphore, #tpu.memory_space<semaphore_mem>>
        %dma_start3A_31 = tpu.memref_slice %arg3[%add3A_24] : memref<320000xi32, #tpu.memory_space<hbm>> -> memref<128xi32, #tpu.memory_space<hbm>>
        %dma_start3A_32 = tpu.memref_slice %arg3[%add3A_24] : memref<320000xi32, #tpu.memory_space<hbm>> -> memref<128xi32, #tpu.memory_space<hbm>>
        tpu.enqueue_dma source(%dma_start3A_32 : memref<128xi32, #tpu.memory_space<hbm>>) target(%arg7 : memref<128xi32, #tpu.memory_space<vmem>>) target_semaphore(%run_scoped3A : memref<!tpu.dma_semaphore, #tpu.memory_space<semaphore_mem>>)
        %dma_wait3A_33 = tpu.memref_slice %arg3[%add3A_24] : memref<320000xi32, #tpu.memory_space<hbm>> -> memref<128xi32, #tpu.memory_space<hbm>>
        %dma_wait3A_34 = tpu.memref_slice %arg3[%add3A_24] : memref<320000xi32, #tpu.memory_space<hbm>> -> memref<128xi32, #tpu.memory_space<hbm>>
        tpu.wait_dma2 semaphore(%run_scoped3A : memref<!tpu.dma_semaphore, #tpu.memory_space<semaphore_mem>>) src(%dma_wait3A_34 : memref<128xi32, #tpu.memory_space<hbm>>) dst(%arg7 : memref<128xi32, #tpu.memory_space<vmem>>)
        tpu.yield
      }) : () -> ()
      "tpu.region"() ({
        %run_scoped3A = tpu.sem_alloc : memref<!tpu.dma_semaphore, #tpu.memory_space<semaphore_mem>>
        %dma_start3A_31 = tpu.memref_slice %arg4[%add3A_24] : memref<320000xi32, #tpu.memory_space<hbm>> -> memref<128xi32, #tpu.memory_space<hbm>>
        %dma_start3A_32 = tpu.memref_slice %arg4[%add3A_24] : memref<320000xi32, #tpu.memory_space<hbm>> -> memref<128xi32, #tpu.memory_space<hbm>>
        tpu.enqueue_dma source(%dma_start3A_32 : memref<128xi32, #tpu.memory_space<hbm>>) target(%arg8 : memref<128xi32, #tpu.memory_space<vmem>>) target_semaphore(%run_scoped3A : memref<!tpu.dma_semaphore, #tpu.memory_space<semaphore_mem>>)
        %dma_wait3A_33 = tpu.memref_slice %arg4[%add3A_24] : memref<320000xi32, #tpu.memory_space<hbm>> -> memref<128xi32, #tpu.memory_space<hbm>>
        %dma_wait3A_34 = tpu.memref_slice %arg4[%add3A_24] : memref<320000xi32, #tpu.memory_space<hbm>> -> memref<128xi32, #tpu.memory_space<hbm>>
        tpu.wait_dma2 semaphore(%run_scoped3A : memref<!tpu.dma_semaphore, #tpu.memory_space<semaphore_mem>>) src(%dma_wait3A_34 : memref<128xi32, #tpu.memory_space<hbm>>) dst(%arg8 : memref<128xi32, #tpu.memory_space<vmem>>)
        tpu.yield
      }) : () -> ()
      %dma_start3A_25 = arith.constant 0 : i32
      %dma_start3A_26 = arith.constant 0 : i32
      %dma_start3A_27 = tpu.memref_slice %arg2[%dma_start3A_25, %dma_start3A_26] : memref<10240x128xf32, #tpu.memory_space<hbm>> -> memref<10240x128xf32, #tpu.memory_space<hbm>>
      tpu.enqueue_indirect_dma source(%dma_start3A_27 : memref<10240x128xf32, #tpu.memory_space<hbm>>) target(%arg9 : memref<128x128xf32, #tpu.memory_space<vmem>>) offsets(%arg7 : memref<128xi32, #tpu.memory_space<vmem>>) semaphore(%arg13 : memref<!tpu.dma_semaphore, #tpu.memory_space<semaphore_mem>>)
      %dma_wait3A_28 = arith.constant 0 : i32
      %dma_wait3A_29 = arith.constant 0 : i32
      %dma_wait3A_30 = tpu.memref_slice %arg2[%dma_wait3A_28, %dma_wait3A_29] : memref<10240x128xf32, #tpu.memory_space<hbm>> -> memref<10240x128xf32, #tpu.memory_space<hbm>>
      tpu.wait_indirect_dma semaphore(%arg13 : memref<!tpu.dma_semaphore, #tpu.memory_space<semaphore_mem>>) src(%dma_wait3A_30 : memref<10240x128xf32, #tpu.memory_space<hbm>>) dst(%arg9 : memref<128x128xf32, #tpu.memory_space<vmem>>)
      "tpu.region"() ({
        %run_scoped3A = tpu.sem_alloc : memref<!tpu.dma_semaphore, #tpu.memory_space<semaphore_mem>>
        %dma_start3A_31 = arith.constant 0 : i32
        %dma_start3A_32 = arith.constant 0 : i32
        %dma_start3A_33 = tpu.memref_slice %arg6[%dma_start3A_31, %dma_start3A_32] : memref<10240x128xf32, #tpu.memory_space<vmem_shared>> -> memref<10240x128xf32, #tpu.memory_space<vmem_shared>>
        tpu.enqueue_indirect_dma source(%arg9 : memref<128x128xf32, #tpu.memory_space<vmem>>) target(%dma_start3A_33 : memref<10240x128xf32, #tpu.memory_space<vmem_shared>>) offsets(%arg8 : memref<128xi32, #tpu.memory_space<vmem>>) semaphore(%run_scoped3A : memref<!tpu.dma_semaphore, #tpu.memory_space<semaphore_mem>>) {add = true}
        %dma_wait3A_34 = arith.constant 0 : i32
        %dma_wait3A_35 = arith.constant 0 : i32
        %dma_wait3A_36 = tpu.memref_slice %arg6[%dma_wait3A_34, %dma_wait3A_35] : memref<10240x128xf32, #tpu.memory_space<vmem_shared>> -> memref<10240x128xf32, #tpu.memory_space<vmem_shared>>
        tpu.wait_indirect_dma semaphore(%run_scoped3A : memref<!tpu.dma_semaphore, #tpu.memory_space<semaphore_mem>>) src(%arg9 : memref<128x128xf32, #tpu.memory_space<vmem>>) dst(%dma_wait3A_36 : memref<10240x128xf32, #tpu.memory_space<vmem_shared>>)
        tpu.yield
      }) : () -> ()
    }
    %scan3A_11 = arith.constant 78 : i32
    %add3A_12 = arith.constant 9984 : i32
    %add3A_13 = arith.addi %mul3A_6, %add3A_12 : i32
    "tpu.region"() ({
      %run_scoped3A = tpu.sem_alloc : memref<!tpu.dma_semaphore, #tpu.memory_space<semaphore_mem>>
      %dma_start3A_21 = tpu.memref_slice %arg3[%add3A_13] : memref<320000xi32, #tpu.memory_space<hbm>> -> memref<16xi32, #tpu.memory_space<hbm>>
      %dma_start3A_22 = tpu.memref_slice %arg3[%add3A_13] : memref<320000xi32, #tpu.memory_space<hbm>> -> memref<16xi32, #tpu.memory_space<hbm>>
      tpu.enqueue_dma source(%dma_start3A_22 : memref<16xi32, #tpu.memory_space<hbm>>) target(%arg10 : memref<16xi32, #tpu.memory_space<vmem>>) target_semaphore(%run_scoped3A : memref<!tpu.dma_semaphore, #tpu.memory_space<semaphore_mem>>)
      %dma_wait3A_23 = tpu.memref_slice %arg3[%add3A_13] : memref<320000xi32, #tpu.memory_space<hbm>> -> memref<16xi32, #tpu.memory_space<hbm>>
      %dma_wait3A_24 = tpu.memref_slice %arg3[%add3A_13] : memref<320000xi32, #tpu.memory_space<hbm>> -> memref<16xi32, #tpu.memory_space<hbm>>
      tpu.wait_dma2 semaphore(%run_scoped3A : memref<!tpu.dma_semaphore, #tpu.memory_space<semaphore_mem>>) src(%dma_wait3A_24 : memref<16xi32, #tpu.memory_space<hbm>>) dst(%arg10 : memref<16xi32, #tpu.memory_space<vmem>>)
      tpu.yield
    }) : () -> ()
    "tpu.region"() ({
      %run_scoped3A = tpu.sem_alloc : memref<!tpu.dma_semaphore, #tpu.memory_space<semaphore_mem>>
      %dma_start3A_21 = tpu.memref_slice %arg4[%add3A_13] : memref<320000xi32, #tpu.memory_space<hbm>> -> memref<16xi32, #tpu.memory_space<hbm>>
      %dma_start3A_22 = tpu.memref_slice %arg4[%add3A_13] : memref<320000xi32, #tpu.memory_space<hbm>> -> memref<16xi32, #tpu.memory_space<hbm>>
      tpu.enqueue_dma source(%dma_start3A_22 : memref<16xi32, #tpu.memory_space<hbm>>) target(%arg11 : memref<16xi32, #tpu.memory_space<vmem>>) target_semaphore(%run_scoped3A : memref<!tpu.dma_semaphore, #tpu.memory_space<semaphore_mem>>)
      %dma_wait3A_23 = tpu.memref_slice %arg4[%add3A_13] : memref<320000xi32, #tpu.memory_space<hbm>> -> memref<16xi32, #tpu.memory_space<hbm>>
      %dma_wait3A_24 = tpu.memref_slice %arg4[%add3A_13] : memref<320000xi32, #tpu.memory_space<hbm>> -> memref<16xi32, #tpu.memory_space<hbm>>
      tpu.wait_dma2 semaphore(%run_scoped3A : memref<!tpu.dma_semaphore, #tpu.memory_space<semaphore_mem>>) src(%dma_wait3A_24 : memref<16xi32, #tpu.memory_space<hbm>>) dst(%arg11 : memref<16xi32, #tpu.memory_space<vmem>>)
      tpu.yield
    }) : () -> ()
    %dma_start3A = arith.constant 0 : i32
    %dma_start3A_14 = arith.constant 0 : i32
    %dma_start3A_15 = tpu.memref_slice %arg2[%dma_start3A, %dma_start3A_14] : memref<10240x128xf32, #tpu.memory_space<hbm>> -> memref<10240x128xf32, #tpu.memory_space<hbm>>
    tpu.enqueue_indirect_dma source(%dma_start3A_15 : memref<10240x128xf32, #tpu.memory_space<hbm>>) target(%arg12 : memref<16x128xf32, #tpu.memory_space<vmem>>) offsets(%arg10 : memref<16xi32, #tpu.memory_space<vmem>>) semaphore(%arg13 : memref<!tpu.dma_semaphore, #tpu.memory_space<semaphore_mem>>)
    %dma_wait3A = arith.constant 0 : i32
    %dma_wait3A_16 = arith.constant 0 : i32
    %dma_wait3A_17 = tpu.memref_slice %arg2[%dma_wait3A, %dma_wait3A_16] : memref<10240x128xf32, #tpu.memory_space<hbm>> -> memref<10240x128xf32, #tpu.memory_space<hbm>>
    tpu.wait_indirect_dma semaphore(%arg13 : memref<!tpu.dma_semaphore, #tpu.memory_space<semaphore_mem>>) src(%dma_wait3A_17 : memref<10240x128xf32, #tpu.memory_space<hbm>>) dst(%arg12 : memref<16x128xf32, #tpu.memory_space<vmem>>)
    "tpu.region"() ({
      %run_scoped3A = tpu.sem_alloc : memref<!tpu.dma_semaphore, #tpu.memory_space<semaphore_mem>>
      %dma_start3A_21 = arith.constant 0 : i32
      %dma_start3A_22 = arith.constant 0 : i32
      %dma_start3A_23 = tpu.memref_slice %arg6[%dma_start3A_21, %dma_start3A_22] : memref<10240x128xf32, #tpu.memory_space<vmem_shared>> -> memref<10240x128xf32, #tpu.memory_space<vmem_shared>>
      tpu.enqueue_indirect_dma source(%arg12 : memref<16x128xf32, #tpu.memory_space<vmem>>) target(%dma_start3A_23 : memref<10240x128xf32, #tpu.memory_space<vmem_shared>>) offsets(%arg11 : memref<16xi32, #tpu.memory_space<vmem>>) semaphore(%run_scoped3A : memref<!tpu.dma_semaphore, #tpu.memory_space<semaphore_mem>>) {add = true}
      %dma_wait3A_24 = arith.constant 0 : i32
      %dma_wait3A_25 = arith.constant 0 : i32
      %dma_wait3A_26 = tpu.memref_slice %arg6[%dma_wait3A_24, %dma_wait3A_25] : memref<10240x128xf32, #tpu.memory_space<vmem_shared>> -> memref<10240x128xf32, #tpu.memory_space<vmem_shared>>
      tpu.wait_indirect_dma semaphore(%run_scoped3A : memref<!tpu.dma_semaphore, #tpu.memory_space<semaphore_mem>>) src(%arg12 : memref<16x128xf32, #tpu.memory_space<vmem>>) dst(%dma_wait3A_26 : memref<10240x128xf32, #tpu.memory_space<vmem_shared>>)
      tpu.yield
    }) : () -> ()
    %barrier3A_18 = arith.constant 0 : index
    tpu.barrier barrier_id(%barrier3A_18)
    %mul3A_19 = arith.constant 640 : i32
    %mul3A_20 = arith.muli %arg1, %mul3A_19 : i32
    "tpu.region"() ({
      %run_scoped3A = tpu.sem_alloc : memref<!tpu.dma_semaphore, #tpu.memory_space<semaphore_mem>>
      %dma_start3A_21 = arith.constant 0 : i32
      %dma_start3A_22 = tpu.memref_slice %arg5[%arg0, %mul3A_20, %dma_start3A_21] : memref<2x10240x128xf32, #tpu.memory_space<hbm>> -> memref<1x640x128xf32, #tpu.memory_space<hbm>>
      %dma_start3A_23 = tpu.memref_squeeze %dma_start3A_22 : memref<1x640x128xf32, #tpu.memory_space<hbm>> -> memref<640x128xf32, #tpu.memory_space<hbm>>
      %dma_start3A_24 = arith.constant 0 : i32
      %dma_start3A_25 = tpu.memref_slice %arg6[%mul3A_20, %dma_start3A_24] : memref<10240x128xf32, #tpu.memory_space<vmem_shared>> -> memref<640x128xf32, #tpu.memory_space<vmem_shared>>
      tpu.enqueue_dma source(%dma_start3A_25 : memref<640x128xf32, #tpu.memory_space<vmem_shared>>) target(%dma_start3A_23 : memref<640x128xf32, #tpu.memory_space<hbm>>) target_semaphore(%run_scoped3A : memref<!tpu.dma_semaphore, #tpu.memory_space<semaphore_mem>>)
      %dma_wait3A_26 = arith.constant 0 : i32
      %dma_wait3A_27 = tpu.memref_slice %arg5[%arg0, %mul3A_20, %dma_wait3A_26] : memref<2x10240x128xf32, #tpu.memory_space<hbm>> -> memref<1x640x128xf32, #tpu.memory_space<hbm>>
      %dma_wait3A_28 = tpu.memref_squeeze %dma_wait3A_27 : memref<1x640x128xf32, #tpu.memory_space<hbm>> -> memref<640x128xf32, #tpu.memory_space<hbm>>
      %dma_wait3A_29 = arith.constant 0 : i32
      %dma_wait3A_30 = tpu.memref_slice %arg6[%mul3A_20, %dma_wait3A_29] : memref<10240x128xf32, #tpu.memory_space<vmem_shared>> -> memref<640x128xf32, #tpu.memory_space<vmem_shared>>
      tpu.wait_dma2 semaphore(%run_scoped3A : memref<!tpu.dma_semaphore, #tpu.memory_space<semaphore_mem>>) src(%dma_wait3A_30 : memref<640x128xf32, #tpu.memory_space<vmem_shared>>) dst(%dma_wait3A_28 : memref<640x128xf32, #tpu.memory_space<hbm>>)
      tpu.yield
    }) : () -> ()
    return
  }
}

module attributes {stable_mosaic.version = 14 : i64} {
  func.func @body(%arg0: i32, %arg1: memref<512x128xf32, #tpu.memory_space<vmem>>, %arg2: memref<128x128xf32, #tpu.memory_space<vmem>>, %arg3: memref<512x1xf32, #tpu.memory_space<vmem>>, %arg4: memref<512x1xf32, #tpu.memory_space<vmem>>, %arg5: memref<512x128xf32, #tpu.memory_space<vmem>>, %arg6: memref<512x1xf32, #tpu.memory_space<vmem>>) attributes {dimension_semantics = [#tpu.dimension_semantics<arbitrary>], iteration_bounds = array<i64: 20>, scalar_prefetch = 0 : i64, scratch_operands = 0 : i64, tpu.core_type = #tpu.core_type<tc>, window_params = [{transform_indices = @transform_0, window_bounds = array<i64: 512, 128>}, {pipeline_mode = #tpu.pipeline_mode<synchronous>, transform_indices = @transform_1, window_bounds = array<i64: 128, 128>}, {transform_indices = @transform_2, window_bounds = array<i64: 512, 1>}, {transform_indices = @transform_3, window_bounds = array<i64: 512, 1>}, {transform_indices = @transform_4, window_bounds = array<i64: 512, 128>}, {transform_indices = @transform_5, window_bounds = array<i64: 512, 1>}]} {
    %get3A = arith.constant 0 : index
    %get3A_0 = arith.constant 0 : index
    %get3A_1 = vector.load %arg3[%get3A, %get3A_0] : memref<512x1xf32, #tpu.memory_space<vmem>>, vector<512x1xf32>
    %get3A_2 = arith.constant 0 : index
    %get3A_3 = arith.constant 0 : index
    %get3A_4 = vector.load %arg4[%get3A_2, %get3A_3] : memref<512x1xf32, #tpu.memory_space<vmem>>, vector<512x1xf32>
    %add3A = arith.addf %get3A_1, %get3A_4 : vector<512x1xf32>
    %sub3A = arith.constant 1.000000e+00 : f32
    %sub3A_5 = vector.broadcast %sub3A : f32 to vector<512x1xf32>
    %sub3A_6 = arith.subf %add3A, %sub3A_5 : vector<512x1xf32>
    %rsqrt3A = math.rsqrt %sub3A_6 : vector<512x1xf32>
    %get3A_7 = arith.constant 0 : index
    %get3A_8 = arith.constant 0 : index
    %get3A_9 = vector.load %arg1[%get3A_7, %get3A_8] : memref<512x128xf32, #tpu.memory_space<vmem>>, vector<512x128xf32>
    %get3A_10 = arith.constant 0 : index
    %get3A_11 = arith.constant 0 : index
    %get3A_12 = vector.load %arg2[%get3A_10, %get3A_11] : memref<128x128xf32, #tpu.memory_space<vmem>>, vector<128x128xf32>
    %dot_general3A = arith.constant dense<0.000000e+00> : vector<512x128xf32>
    %dot_general3A_13 = tpu.matmul %get3A_9, %get3A_12, %dot_general3A {dimension_numbers = #tpu.dot_dimension_numbers<[1], [0], [0], [1], [0, 0, 1, 1], [], []>, transpose_lhs_hint = false} : vector<512x128xf32>, vector<128x128xf32>, vector<512x128xf32> -> vector<512x128xf32>
    %mul3A = vector.broadcast %rsqrt3A : vector<512x1xf32> to vector<512x128xf32>
    %mul3A_14 = arith.mulf %dot_general3A_13, %mul3A : vector<512x128xf32>
    %swap3A = arith.constant 0 : index
    %swap3A_15 = arith.constant 0 : index
    %swap3A_16 = vector.load %arg5[%swap3A, %swap3A_15] : memref<512x128xf32, #tpu.memory_space<vmem>>, vector<512x128xf32>
    tpu.vector_store %arg5[%swap3A, %swap3A_15], %mul3A_14 {strides = array<i32>} : memref<512x128xf32, #tpu.memory_space<vmem>>, vector<512x128xf32>,
    %swap3A_17 = arith.constant 0 : index
    %swap3A_18 = arith.constant 0 : index
    %swap3A_19 = vector.load %arg6[%swap3A_17, %swap3A_18] : memref<512x1xf32, #tpu.memory_space<vmem>>, vector<512x1xf32>
    tpu.vector_store %arg6[%swap3A_17, %swap3A_18], %rsqrt3A {strides = array<i32>} : memref<512x1xf32, #tpu.memory_space<vmem>>, vector<512x1xf32>,
    return
  }
  func.func @transform_0(%arg0: i32) -> (i32, i32) {
    %c0_i32 = arith.constant 0 : i32
    %c0_i32_0 = arith.constant 0 : i32
    return %arg0, %c0_i32 : i32, i32
  }
  func.func @transform_1(%arg0: i32) -> (i32, i32) {
    %c0_i32 = arith.constant 0 : i32
    %c0_i32_0 = arith.constant 0 : i32
    %c0_i32_1 = arith.constant 0 : i32
    return %c0_i32, %c0_i32_0 : i32, i32
  }
  func.func @transform_2(%arg0: i32) -> (i32, i32) {
    %c0_i32 = arith.constant 0 : i32
    %c0_i32_0 = arith.constant 0 : i32
    return %arg0, %c0_i32 : i32, i32
  }
  func.func @transform_3(%arg0: i32) -> (i32, i32) {
    %c0_i32 = arith.constant 0 : i32
    %c0_i32_0 = arith.constant 0 : i32
    return %arg0, %c0_i32 : i32, i32
  }
  func.func @transform_4(%arg0: i32) -> (i32, i32) {
    %c0_i32 = arith.constant 0 : i32
    %c0_i32_0 = arith.constant 0 : i32
    return %arg0, %c0_i32 : i32, i32
  }
  func.func @transform_5(%arg0: i32) -> (i32, i32) {
    %c0_i32 = arith.constant 0 : i32
    %c0_i32_0 = arith.constant 0 : i32
    return %arg0, %c0_i32 : i32, i32
  }
}

module attributes {stable_mosaic.version = 14 : i64} {
  func.func @body(%arg0: i32, %arg1: memref<512x128xf32, #tpu.memory_space<vmem>>, %arg2: memref<512x128xf32, #tpu.memory_space<vmem>>, %arg3: memref<512x128xf32, #tpu.memory_space<vmem>>, %arg4: memref<512x1xf32, #tpu.memory_space<vmem>>, %arg5: memref<1x128xf32, #tpu.memory_space<vmem>>, %arg6: memref<128x128xf32, #tpu.memory_space<vmem>>, %arg7: memref<512x128xf32, #tpu.memory_space<vmem>>, %arg8: memref<512x128xf32, #tpu.memory_space<vmem>>) attributes {dimension_semantics = [#tpu.dimension_semantics<arbitrary>], iteration_bounds = array<i64: 20>, scalar_prefetch = 0 : i64, scratch_operands = 0 : i64, tpu.core_type = #tpu.core_type<tc>, window_params = [{transform_indices = @transform_0, window_bounds = array<i64: 512, 128>}, {transform_indices = @transform_1, window_bounds = array<i64: 512, 128>}, {transform_indices = @transform_2, window_bounds = array<i64: 512, 128>}, {transform_indices = @transform_3, window_bounds = array<i64: 512, 1>}, {pipeline_mode = #tpu.pipeline_mode<synchronous>, transform_indices = @transform_4, window_bounds = array<i64: 1, 128>}, {pipeline_mode = #tpu.pipeline_mode<synchronous>, transform_indices = @transform_5, window_bounds = array<i64: 128, 128>}, {transform_indices = @transform_6, window_bounds = array<i64: 512, 128>}, {transform_indices = @transform_7, window_bounds = array<i64: 512, 128>}]} {
    %get3A = arith.constant 0 : index
    %get3A_0 = arith.constant 0 : index
    %get3A_1 = vector.load %arg1[%get3A, %get3A_0] : memref<512x128xf32, #tpu.memory_space<vmem>>, vector<512x128xf32>
    %get3A_2 = arith.constant 0 : index
    %get3A_3 = arith.constant 0 : index
    %get3A_4 = vector.load %arg2[%get3A_2, %get3A_3] : memref<512x128xf32, #tpu.memory_space<vmem>>, vector<512x128xf32>
    %add3A = arith.addf %get3A_1, %get3A_4 : vector<512x128xf32>
    %get3A_5 = arith.constant 0 : index
    %get3A_6 = arith.constant 0 : index
    %get3A_7 = vector.load %arg3[%get3A_5, %get3A_6] : memref<512x128xf32, #tpu.memory_space<vmem>>, vector<512x128xf32>
    %sub3A = arith.subf %add3A, %get3A_7 : vector<512x128xf32>
    %get3A_8 = arith.constant 0 : index
    %get3A_9 = arith.constant 0 : index
    %get3A_10 = vector.load %arg4[%get3A_8, %get3A_9] : memref<512x1xf32, #tpu.memory_space<vmem>>, vector<512x1xf32>
    %mul3A = vector.broadcast %get3A_10 : vector<512x1xf32> to vector<512x128xf32>
    %mul3A_11 = arith.mulf %sub3A, %mul3A : vector<512x128xf32>
    %get3A_12 = arith.constant 0 : index
    %get3A_13 = arith.constant 0 : index
    %get3A_14 = vector.load %arg5[%get3A_12, %get3A_13] : memref<1x128xf32, #tpu.memory_space<vmem>>, vector<1x128xf32>
    %add3A_15 = vector.broadcast %get3A_14 : vector<1x128xf32> to vector<512x128xf32>
    %add3A_16 = arith.addf %mul3A_11, %add3A_15 : vector<512x128xf32>
    %max3A = arith.constant 0.000000e+00 : f32
    %max3A_17 = vector.broadcast %max3A : f32 to vector<512x128xf32>
    %max3A_18 = arith.maximumf %add3A_16, %max3A_17 : vector<512x128xf32>
    %swap3A = arith.constant 0 : index
    %swap3A_19 = arith.constant 0 : index
    %swap3A_20 = vector.load %arg7[%swap3A, %swap3A_19] : memref<512x128xf32, #tpu.memory_space<vmem>>, vector<512x128xf32>
    tpu.vector_store %arg7[%swap3A, %swap3A_19], %max3A_18 {strides = array<i32>} : memref<512x128xf32, #tpu.memory_space<vmem>>, vector<512x128xf32>,
    %get3A_21 = arith.constant 0 : index
    %get3A_22 = arith.constant 0 : index
    %get3A_23 = vector.load %arg6[%get3A_21, %get3A_22] : memref<128x128xf32, #tpu.memory_space<vmem>>, vector<128x128xf32>
    %dot_general3A = arith.constant dense<0.000000e+00> : vector<512x128xf32>
    %dot_general3A_24 = tpu.matmul %max3A_18, %get3A_23, %dot_general3A {dimension_numbers = #tpu.dot_dimension_numbers<[1], [0], [0], [1], [0, 0, 1, 1], [], []>, transpose_lhs_hint = false} : vector<512x128xf32>, vector<128x128xf32>, vector<512x128xf32> -> vector<512x128xf32>
    %get3A_25 = arith.constant 0 : index
    %get3A_26 = arith.constant 0 : index
    %get3A_27 = vector.load %arg4[%get3A_25, %get3A_26] : memref<512x1xf32, #tpu.memory_space<vmem>>, vector<512x1xf32>
    %mul3A_28 = vector.broadcast %get3A_27 : vector<512x1xf32> to vector<512x128xf32>
    %mul3A_29 = arith.mulf %dot_general3A_24, %mul3A_28 : vector<512x128xf32>
    %swap3A_30 = arith.constant 0 : index
    %swap3A_31 = arith.constant 0 : index
    %swap3A_32 = vector.load %arg8[%swap3A_30, %swap3A_31] : memref<512x128xf32, #tpu.memory_space<vmem>>, vector<512x128xf32>
    tpu.vector_store %arg8[%swap3A_30, %swap3A_31], %mul3A_29 {strides = array<i32>} : memref<512x128xf32, #tpu.memory_space<vmem>>, vector<512x128xf32>,
    return
  }
  func.func @transform_0(%arg0: i32) -> (i32, i32) {
    %c0_i32 = arith.constant 0 : i32
    %c0_i32_0 = arith.constant 0 : i32
    return %arg0, %c0_i32 : i32, i32
  }
  func.func @transform_1(%arg0: i32) -> (i32, i32) {
    %c0_i32 = arith.constant 0 : i32
    %c0_i32_0 = arith.constant 0 : i32
    return %arg0, %c0_i32 : i32, i32
  }
  func.func @transform_2(%arg0: i32) -> (i32, i32) {
    %c0_i32 = arith.constant 0 : i32
    %c0_i32_0 = arith.constant 0 : i32
    return %arg0, %c0_i32 : i32, i32
  }
  func.func @transform_3(%arg0: i32) -> (i32, i32) {
    %c0_i32 = arith.constant 0 : i32
    %c0_i32_0 = arith.constant 0 : i32
    return %arg0, %c0_i32 : i32, i32
  }
  func.func @transform_4(%arg0: i32) -> (i32, i32) {
    %c0_i32 = arith.constant 0 : i32
    %c0_i32_0 = arith.constant 0 : i32
    %c0_i32_1 = arith.constant 0 : i32
    return %c0_i32, %c0_i32_0 : i32, i32
  }
  func.func @transform_5(%arg0: i32) -> (i32, i32) {
    %c0_i32 = arith.constant 0 : i32
    %c0_i32_0 = arith.constant 0 : i32
    %c0_i32_1 = arith.constant 0 : i32
    return %c0_i32, %c0_i32_0 : i32, i32
  }
  func.func @transform_6(%arg0: i32) -> (i32, i32) {
    %c0_i32 = arith.constant 0 : i32
    %c0_i32_0 = arith.constant 0 : i32
    return %arg0, %c0_i32 : i32, i32
  }
  func.func @transform_7(%arg0: i32) -> (i32, i32) {
    %c0_i32 = arith.constant 0 : i32
    %c0_i32_0 = arith.constant 0 : i32
    return %arg0, %c0_i32 : i32, i32
  }
}

module attributes {stable_mosaic.version = 14 : i64} {
  func.func @body(%arg0: i32, %arg1: memref<512x128xf32, #tpu.memory_space<vmem>>, %arg2: memref<512x128xf32, #tpu.memory_space<vmem>>, %arg3: memref<512x128xf32, #tpu.memory_space<vmem>>, %arg4: memref<512x128xf32, #tpu.memory_space<vmem>>, %arg5: memref<512x1xf32, #tpu.memory_space<vmem>>, %arg6: memref<1x128xf32, #tpu.memory_space<vmem>>, %arg7: memref<512x1xi32, #tpu.memory_space<vmem>>, %arg8: memref<128x128xf32, #tpu.memory_space<vmem>>, %arg9: memref<1x128xf32, #tpu.memory_space<vmem>>, %arg10: memref<128x128xf32, #tpu.memory_space<vmem>>, %arg11: memref<128x128xf32, #tpu.memory_space<vmem>>, %arg12: memref<128x1xf32, #tpu.memory_space<vmem>>) attributes {dimension_semantics = [#tpu.dimension_semantics<arbitrary>], iteration_bounds = array<i64: 20>, scalar_prefetch = 0 : i64, scratch_operands = 2 : i64, tpu.core_type = #tpu.core_type<tc>, window_params = [{transform_indices = @transform_0, window_bounds = array<i64: 512, 128>}, {transform_indices = @transform_1, window_bounds = array<i64: 512, 128>}, {transform_indices = @transform_2, window_bounds = array<i64: 512, 128>}, {transform_indices = @transform_3, window_bounds = array<i64: 512, 128>}, {transform_indices = @transform_4, window_bounds = array<i64: 512, 1>}, {pipeline_mode = #tpu.pipeline_mode<synchronous>, transform_indices = @transform_5, window_bounds = array<i64: 1, 128>}, {transform_indices = @transform_6, window_bounds = array<i64: 512, 1>}, {pipeline_mode = #tpu.pipeline_mode<synchronous>, transform_indices = @transform_7, window_bounds = array<i64: 128, 128>}, {pipeline_mode = #tpu.pipeline_mode<synchronous>, transform_indices = @transform_8, window_bounds = array<i64: 1, 128>}, {pipeline_mode = #tpu.pipeline_mode<synchronous>, transform_indices = @transform_9, window_bounds = array<i64: 128, 128>}]} {
    %eq3A = arith.constant 0 : i32
    %eq3A_0 = arith.cmpi eq, %arg0, %eq3A : i32
    %convert_element_type3A = arith.extui %eq3A_0 : i1 to i32
    %cond3A = arith.constant 0 : i32
    %cond3A_1 = arith.cmpi ne, %convert_element_type3A, %cond3A : i32
    scf.if %cond3A_1 {
      %broadcast_in_dim3A_55 = arith.constant 0.000000e+00 : f32
      %broadcast_in_dim3A_56 = vector.broadcast %broadcast_in_dim3A_55 : f32 to vector<128x128xf32>
      %swap3A_57 = arith.constant 0 : index
      %swap3A_58 = arith.constant 0 : index
      %swap3A_59 = vector.load %arg11[%swap3A_57, %swap3A_58] : memref<128x128xf32, #tpu.memory_space<vmem>>, vector<128x128xf32>
      tpu.vector_store %arg11[%swap3A_57, %swap3A_58], %broadcast_in_dim3A_56 {strides = array<i32>} : memref<128x128xf32, #tpu.memory_space<vmem>>, vector<128x128xf32>,
      %broadcast_in_dim3A_60 = arith.constant 0.000000e+00 : f32
      %broadcast_in_dim3A_61 = vector.broadcast %broadcast_in_dim3A_60 : f32 to vector<128x1xf32>
      %swap3A_62 = arith.constant 0 : index
      %swap3A_63 = arith.constant 0 : index
      %swap3A_64 = vector.load %arg12[%swap3A_62, %swap3A_63] : memref<128x1xf32, #tpu.memory_space<vmem>>, vector<128x1xf32>
      tpu.vector_store %arg12[%swap3A_62, %swap3A_63], %broadcast_in_dim3A_61 {strides = array<i32>} : memref<128x1xf32, #tpu.memory_space<vmem>>, vector<128x1xf32>,
    } else {
    }
    %get3A = arith.constant 0 : index
    %get3A_2 = arith.constant 0 : index
    %get3A_3 = vector.load %arg2[%get3A, %get3A_2] : memref<512x128xf32, #tpu.memory_space<vmem>>, vector<512x128xf32>
    %get3A_4 = arith.constant 0 : index
    %get3A_5 = arith.constant 0 : index
    %get3A_6 = vector.load %arg3[%get3A_4, %get3A_5] : memref<512x128xf32, #tpu.memory_space<vmem>>, vector<512x128xf32>
    %add3A = arith.addf %get3A_3, %get3A_6 : vector<512x128xf32>
    %get3A_7 = arith.constant 0 : index
    %get3A_8 = arith.constant 0 : index
    %get3A_9 = vector.load %arg4[%get3A_7, %get3A_8] : memref<512x128xf32, #tpu.memory_space<vmem>>, vector<512x128xf32>
    %sub3A = arith.subf %add3A, %get3A_9 : vector<512x128xf32>
    %get3A_10 = arith.constant 0 : index
    %get3A_11 = arith.constant 0 : index
    %get3A_12 = vector.load %arg5[%get3A_10, %get3A_11] : memref<512x1xf32, #tpu.memory_space<vmem>>, vector<512x1xf32>
    %mul3A = vector.broadcast %get3A_12 : vector<512x1xf32> to vector<512x128xf32>
    %mul3A_13 = arith.mulf %sub3A, %mul3A : vector<512x128xf32>
    %get3A_14 = arith.constant 0 : index
    %get3A_15 = arith.constant 0 : index
    %get3A_16 = vector.load %arg6[%get3A_14, %get3A_15] : memref<1x128xf32, #tpu.memory_space<vmem>>, vector<1x128xf32>
    %add3A_17 = vector.broadcast %get3A_16 : vector<1x128xf32> to vector<512x128xf32>
    %add3A_18 = arith.addf %mul3A_13, %add3A_17 : vector<512x128xf32>
    %max3A = arith.constant 0.000000e+00 : f32
    %max3A_19 = vector.broadcast %max3A : f32 to vector<512x128xf32>
    %max3A_20 = arith.maximumf %add3A_18, %max3A_19 : vector<512x128xf32>
    %get3A_21 = arith.constant 0 : index
    %get3A_22 = arith.constant 0 : index
    %get3A_23 = vector.load %arg1[%get3A_21, %get3A_22] : memref<512x128xf32, #tpu.memory_space<vmem>>, vector<512x128xf32>
    %add3A_24 = arith.addf %get3A_23, %max3A_20 : vector<512x128xf32>
    %iota3A = tpu.iota {dimensions = array<i32: 1>} : vector<1x128xi32>
    %get3A_25 = arith.constant 0 : index
    %get3A_26 = arith.constant 0 : index
    %get3A_27 = vector.load %arg7[%get3A_25, %get3A_26] : memref<512x1xi32, #tpu.memory_space<vmem>>, vector<512x1xi32>
    %eq3A_28 = vector.broadcast %get3A_27 : vector<512x1xi32> to vector<512x128xi32>
    %eq3A_29 = vector.broadcast %iota3A : vector<1x128xi32> to vector<512x128xi32>
    %eq3A_30 = arith.cmpi eq, %eq3A_28, %eq3A_29 : vector<512x128xi32>
    %convert_element_type3A_31 = arith.extui %eq3A_30 : vector<512x128xi1> to vector<512x128xi32>
    %convert_element_type3A_32 = arith.sitofp %convert_element_type3A_31 : vector<512x128xi32> to vector<512x128xf32>
    %get3A_33 = arith.constant 0 : index
    %get3A_34 = arith.constant 0 : index
    %get3A_35 = vector.load %arg11[%get3A_33, %get3A_34] : memref<128x128xf32, #tpu.memory_space<vmem>>, vector<128x128xf32>
    %dot_general3A = arith.constant dense<0.000000e+00> : vector<128x128xf32>
    %dot_general3A_36 = tpu.matmul %convert_element_type3A_32, %add3A_24, %dot_general3A {dimension_numbers = #tpu.dot_dimension_numbers<[0], [0], [1], [1], [0, 1, 1, 1], [], []>, transpose_lhs_hint = false} : vector<512x128xf32>, vector<512x128xf32>, vector<128x128xf32> -> vector<128x128xf32>
    %add3A_37 = arith.addf %get3A_35, %dot_general3A_36 : vector<128x128xf32>
    %swap3A = arith.constant 0 : index
    %swap3A_38 = arith.constant 0 : index
    %swap3A_39 = vector.load %arg11[%swap3A, %swap3A_38] : memref<128x128xf32, #tpu.memory_space<vmem>>, vector<128x128xf32>
    tpu.vector_store %arg11[%swap3A, %swap3A_38], %add3A_37 {strides = array<i32>} : memref<128x128xf32, #tpu.memory_space<vmem>>, vector<128x128xf32>,
    %get3A_40 = arith.constant 0 : index
    %get3A_41 = arith.constant 0 : index
    %get3A_42 = vector.load %arg12[%get3A_40, %get3A_41] : memref<128x1xf32, #tpu.memory_space<vmem>>, vector<128x1xf32>
    %broadcast_in_dim3A = arith.constant 1.000000e+00 : f32
    %broadcast_in_dim3A_43 = vector.broadcast %broadcast_in_dim3A : f32 to vector<512x1xf32>
    %dot_general3A_44 = arith.constant dense<0.000000e+00> : vector<128x1xf32>
    %dot_general3A_45 = tpu.matmul %convert_element_type3A_32, %broadcast_in_dim3A_43, %dot_general3A_44 {dimension_numbers = #tpu.dot_dimension_numbers<[0], [0], [1], [1], [0, 1, 1, 1], [], []>, transpose_lhs_hint = false} : vector<512x128xf32>, vector<512x1xf32>, vector<128x1xf32> -> vector<128x1xf32>
    %add3A_46 = arith.addf %get3A_42, %dot_general3A_45 : vector<128x1xf32>
    %swap3A_47 = arith.constant 0 : index
    %swap3A_48 = arith.constant 0 : index
    %swap3A_49 = vector.load %arg12[%swap3A_47, %swap3A_48] : memref<128x1xf32, #tpu.memory_space<vmem>>, vector<128x1xf32>
    tpu.vector_store %arg12[%swap3A_47, %swap3A_48], %add3A_46 {strides = array<i32>} : memref<128x1xf32, #tpu.memory_space<vmem>>, vector<128x1xf32>,
    %eq3A_50 = arith.constant 19 : i32
    %eq3A_51 = arith.cmpi eq, %arg0, %eq3A_50 : i32
    %convert_element_type3A_52 = arith.extui %eq3A_51 : i1 to i32
    %cond3A_53 = arith.constant 0 : i32
    %cond3A_54 = arith.cmpi ne, %convert_element_type3A_52, %cond3A_53 : i32
    scf.if %cond3A_54 {
      %get3A_55 = arith.constant 0 : index
      %get3A_56 = arith.constant 0 : index
      %get3A_57 = vector.load %arg11[%get3A_55, %get3A_56] : memref<128x128xf32, #tpu.memory_space<vmem>>, vector<128x128xf32>
      %get3A_58 = arith.constant 0 : index
      %get3A_59 = arith.constant 0 : index
      %get3A_60 = vector.load %arg12[%get3A_58, %get3A_59] : memref<128x1xf32, #tpu.memory_space<vmem>>, vector<128x1xf32>
      %max3A_61 = arith.constant 1.000000e+00 : f32
      %max3A_62 = vector.broadcast %max3A_61 : f32 to vector<128x1xf32>
      %max3A_63 = arith.maximumf %get3A_60, %max3A_62 : vector<128x1xf32>
      %div3A = vector.broadcast %max3A_63 : vector<128x1xf32> to vector<128x128xf32>
      %div3A_64 = arith.divf %get3A_57, %div3A : vector<128x128xf32>
      %get3A_65 = arith.constant 0 : index
      %get3A_66 = arith.constant 0 : index
      %get3A_67 = vector.load %arg8[%get3A_65, %get3A_66] : memref<128x128xf32, #tpu.memory_space<vmem>>, vector<128x128xf32>
      %dot_general3A_68 = arith.constant dense<0.000000e+00> : vector<128x128xf32>
      %dot_general3A_69 = tpu.matmul %div3A_64, %get3A_67, %dot_general3A_68 {dimension_numbers = #tpu.dot_dimension_numbers<[1], [0], [0], [1], [0, 0, 1, 1], [], []>, transpose_lhs_hint = false} : vector<128x128xf32>, vector<128x128xf32>, vector<128x128xf32> -> vector<128x128xf32>
      %get3A_70 = arith.constant 0 : index
      %get3A_71 = arith.constant 0 : index
      %get3A_72 = vector.load %arg9[%get3A_70, %get3A_71] : memref<1x128xf32, #tpu.memory_space<vmem>>, vector<1x128xf32>
      %add3A_73 = vector.broadcast %get3A_72 : vector<1x128xf32> to vector<128x128xf32>
      %add3A_74 = arith.addf %dot_general3A_69, %add3A_73 : vector<128x128xf32>
      %max3A_75 = arith.constant 0.000000e+00 : f32
      %max3A_76 = vector.broadcast %max3A_75 : f32 to vector<128x128xf32>
      %max3A_77 = arith.maximumf %add3A_74, %max3A_76 : vector<128x128xf32>
      %iota3A_78 = tpu.iota {dimensions = array<i32: 1>} : vector<128x128xi32>
      %lt3A = arith.constant 10 : i32
      %lt3A_79 = vector.broadcast %lt3A : i32 to vector<128x128xi32>
      %lt3A_80 = arith.cmpi slt, %iota3A_78, %lt3A_79 : vector<128x128xi32>
      %jit3A = arith.constant 0xFF800000 : f32
      %broadcast_in_dim3A_81 = vector.broadcast %jit3A : f32 to vector<128x128xf32>
      %select_n3A = arith.select %lt3A_80, %max3A_77, %broadcast_in_dim3A_81 : vector<128x128xi1>, vector<128x128xf32>
      %reduce_max3A = arith.constant dense<0xFF800000> : vector<128xf32>
      %reduce_max3A_82 = vector.multi_reduction <maximumf>, %select_n3A, %reduce_max3A [1] : vector<128x128xf32> to vector<128xf32>
      %broadcast_in_dim3A_83 = vector.shape_cast %reduce_max3A_82 : vector<128xf32> to vector<128x1xf32>
      %sub3A_84 = vector.broadcast %broadcast_in_dim3A_83 : vector<128x1xf32> to vector<128x128xf32>
      %sub3A_85 = arith.subf %max3A_77, %sub3A_84 : vector<128x128xf32>
      %exp3A = math.exp %sub3A_85 : vector<128x128xf32>
      %jit3A_86 = arith.constant 0.000000e+00 : f32
      %broadcast_in_dim3A_87 = vector.broadcast %jit3A_86 : f32 to vector<128x128xf32>
      %select_n3A_88 = arith.select %lt3A_80, %exp3A, %broadcast_in_dim3A_87 : vector<128x128xi1>, vector<128x128xf32>
      %reduce_sum3A = arith.constant dense<0.000000e+00> : vector<128xf32>
      %reduce_sum3A_89 = vector.multi_reduction <add>, %select_n3A_88, %reduce_sum3A [1] : vector<128x128xf32> to vector<128xf32>
      %broadcast_in_dim3A_90 = vector.shape_cast %reduce_sum3A_89 : vector<128xf32> to vector<128x1xf32>
      %log3A = math.log %broadcast_in_dim3A_90 : vector<128x1xf32>
      %sub3A_91 = vector.broadcast %log3A : vector<128x1xf32> to vector<128x128xf32>
      %sub3A_92 = arith.subf %sub3A_85, %sub3A_91 : vector<128x128xf32>
      %jit3A_93 = arith.constant 0.000000e+00 : f32
      %broadcast_in_dim3A_94 = vector.broadcast %jit3A_93 : f32 to vector<128x128xf32>
      %select_n3A_95 = arith.select %lt3A_80, %sub3A_92, %broadcast_in_dim3A_94 : vector<128x128xi1>, vector<128x128xf32>
      %swap3A_96 = arith.constant 0 : index
      %swap3A_97 = arith.constant 0 : index
      %swap3A_98 = vector.load %arg10[%swap3A_96, %swap3A_97] : memref<128x128xf32, #tpu.memory_space<vmem>>, vector<128x128xf32>
      tpu.vector_store %arg10[%swap3A_96, %swap3A_97], %select_n3A_95 {strides = array<i32>} : memref<128x128xf32, #tpu.memory_space<vmem>>, vector<128x128xf32>,
    } else {
    }
    return
  }
  func.func @transform_0(%arg0: i32) -> (i32, i32) {
    %c0_i32 = arith.constant 0 : i32
    %c0_i32_0 = arith.constant 0 : i32
    return %arg0, %c0_i32 : i32, i32
  }
  func.func @transform_1(%arg0: i32) -> (i32, i32) {
    %c0_i32 = arith.constant 0 : i32
    %c0_i32_0 = arith.constant 0 : i32
    return %arg0, %c0_i32 : i32, i32
  }
  func.func @transform_2(%arg0: i32) -> (i32, i32) {
    %c0_i32 = arith.constant 0 : i32
    %c0_i32_0 = arith.constant 0 : i32
    return %arg0, %c0_i32 : i32, i32
  }
  func.func @transform_3(%arg0: i32) -> (i32, i32) {
    %c0_i32 = arith.constant 0 : i32
    %c0_i32_0 = arith.constant 0 : i32
    return %arg0, %c0_i32 : i32, i32
  }
  func.func @transform_4(%arg0: i32) -> (i32, i32) {
    %c0_i32 = arith.constant 0 : i32
    %c0_i32_0 = arith.constant 0 : i32
    return %arg0, %c0_i32 : i32, i32
  }
  func.func @transform_5(%arg0: i32) -> (i32, i32) {
    %c0_i32 = arith.constant 0 : i32
    %c0_i32_0 = arith.constant 0 : i32
    %c0_i32_1 = arith.constant 0 : i32
    return %c0_i32, %c0_i32_0 : i32, i32
  }
  func.func @transform_6(%arg0: i32) -> (i32, i32) {
    %c0_i32 = arith.constant 0 : i32
    %c0_i32_0 = arith.constant 0 : i32
    return %arg0, %c0_i32 : i32, i32
  }
  func.func @transform_7(%arg0: i32) -> (i32, i32) {
    %c0_i32 = arith.constant 0 : i32
    %c0_i32_0 = arith.constant 0 : i32
    %c0_i32_1 = arith.constant 0 : i32
    return %c0_i32, %c0_i32_0 : i32, i32
  }
  func.func @transform_8(%arg0: i32) -> (i32, i32) {
    %c0_i32 = arith.constant 0 : i32
    %c0_i32_0 = arith.constant 0 : i32
    %c0_i32_1 = arith.constant 0 : i32
    return %c0_i32, %c0_i32_0 : i32, i32
  }
  func.func @transform_9(%arg0: i32) -> (i32, i32) {
    %c0_i32 = arith.constant 0 : i32
    %c0_i32_0 = arith.constant 0 : i32
    %c0_i32_1 = arith.constant 0 : i32
    return %c0_i32, %c0_i32_0 : i32, i32
  }
}

</mosaic_0001>

<sc_bundles>
// kernel: kernel.11.cloned.1.call-start
scs
__scs_entry_jumppad:
0x0: {  	(pc) =	sbr.rel $0x88, $3  }
0x1: {  	(tag) =	ssettag $0x0;
	lr =	simm.s32 $0x1  }
0x2: {  	[smem:$0x3F98] =	sst lr;
	_ =	strace $0xD0000000  }
0x3: {  	_ = 	snop  }
0x4: {  	_ = 	snop  }
0x5: {  	_ = 	snop  }
0x6: {  	_ = 	snop  }
0x7: {  	_ = 	snop  }
__scs_overlays_trampoline_lowered:
0x8: {  	[smem:$0x3FA7] =	sst s0  }
0x9: {  	[smem:$0x3FA8] =	sst s1  }
0xa: {  	[smem:$0x3FA9] =	sst s2  }
0xb: {  	[smem:$0x3FAA] =	sst s3  }
0xc: {  	[smem:$0x3FAB] =	sst s4  }
0xd: {  	[smem:$0x3FAC] =	sst s5  }
0xe: {  	[smem:$0x3FAD] =	sst s6  }
0xf: {  	[smem:$0x3FAE] =	sst s7  }
0x10: {  	[smem:$0x3FAF] =	sst s8  }
0x11: {  	[smem:$0x3FB0] =	sst s9;
	s0 =	simm.s32 @!p0 $0x0  }
0x12: {  	s1 =	sld [smem:$0x3F96];
	s0 =	simm.s32 @p0 $0x1  }
0x13: {  	[smem:$0x3FB1] =	sst s0;
	s0 =	simm.s32 @!p1 $0x0  }
0x14: {  	s2 =	sld [smem:$0x3F95];
	s0 =	simm.s32 @p1 $0x1  }
0x15: {  	[smem:$0x3FB2] =	sst s0;
	s0 =	simm.s32 @!p2 $0x0  }
0x16: {  	s3 =	sld [smem:$0x3FDB];
	s0 =	simm.s32 @p2 $0x1  }
0x17: {  	s4 =	simm.s32 $0x1BF5;
	[smem:$0x3FB4] =	sst s0  }
0x18: {  	s0 =	sld [smem:$0x3F97];
	_ =	swait.ge [sflag:s4], $0x0  }
0x19: {  	s7 =	sld [smem:$0x3F98]  }
0x1a: {  	s8 =	sadd.s32 $0xFFFFE003, lr  }
0x1b: {  	s9 =	sadd.s32 $0xFFFFFEF7, lr;
	s5 =	simm.s32 $0xFFFFFFFF;
	p2 =	slt.u32 s8, $0xFFFFF086  }
0x1c: {  	p1 =	slt.u32 s9, $0xF7A;
	s5 =	simm.s32 @!p2 $0x0  }
0x1d: {  	s5 =	simm.s32 @p1 $0x1;
	p0 =	seq.s32 s7, s2  }
0x1e: {  	s7 =	smul.u32 @!p0 $0xF7A, s2;
	p2 =	seq.s32 @!p0 s5, $0x0  }
0x1f: {  	s9 =	smul.u32 $0xF7A, s1;
	s8 =	simm.s32 @!p0 $0x1BF5;
	p2 =	por !p2, p0  }
0x20: {  	[sflag:s8] =	ssyncset.s32 @!p0 $0xFFFFF086;
	s6 =	sadd.s32 @!p0 s3, s7;
	s7 =	simm.s32 @!p0 $0x108  }
0x21: {  	s3 =	sadd.s32 s3, s9;
	s6 =	sadd.s32 @!p0 $0x88, s6;
	s7 =	simm.s32 @p2 $0x1082  }
0x22: {  	[simem:s7], [sflag:s8] =	dma.local @!p0 [hbm:s6], $0xF7A  }
0x23: {  	s9 =	sor.u32 $0xD0000000, s2;
	s6 =	simm.s32 $0x108;
	_ =	swait.ge @!p0 [sflag:s8], $0x0  }
0x24: {  	s3 =	sadd.s32 $0x88, s3;
	s6 =	simm.s32 @!p1 $0x1082;
	[sflag:s4] =	ssyncset.s32 $0xFFFFF086  }
0x25: {  	[simem:s6], [sflag:s4] =	dma.local [hbm:s3], $0xF7A  }
0x26: {  	[smem:$0x3F98] =	sst s1;
	(tag) =	ssettag s2;
	_ =	strace s9  }
0x27: {  	s1 =	sld [smem:$0x3FA8]  }
0x28: {  	s2 =	sld [smem:$0x3FA9]  }
0x29: {  	s4 =	sld [smem:$0x3FAB]  }
0x2a: {  	p0 =	seq.s32 s5, $0x0;
	s5 =	sld [smem:$0x3FAC]  }
0x2b: {  	s6 =	sld [smem:$0x3FAD]  }
0x2c: {  	s7 =	sld [smem:$0x3FAE]  }
0x2d: {  	s3 =	simm.s32 $0x108;
	s8 =	sld [smem:$0x3FAF]  }
0x2e: {  	s3 =	simm.s32 @!p0 $0x1082;
	s9 =	sld [smem:$0x3FB0]  }
0x2f: {  	lr =	sadd.s32 s0, s3;
	s0 =	sld [smem:$0x3FA7]  }
0x30: {  	s3 =	sld [smem:$0x3FAA]  }
0x31: {  	[smem:$0x3FB3] =	sst s10  }
0x32: {  	s10 =	sld [smem:$0x3FB1];
	_ =	sdelay $0x3  }
0x33: {  	p0 =	seq.s32 s10, $0x1;
	s10 =	sld [smem:$0x3FB3];
	_ =	sdelay $0x3  }
0x34: {  	[smem:$0x3FB3] =	sst s10  }
0x35: {  	s10 =	sld [smem:$0x3FB2];
	_ =	sdelay $0x3  }
0x36: {  	p1 =	seq.s32 s10, $0x1;
	s10 =	sld [smem:$0x3FB3];
	_ =	sdelay $0x3  }
0x37: {  	[smem:$0x3FB3] =	sst s10  }
0x38: {  	s10 =	sld [smem:$0x3FB4]  }
0x39: {  	_ = 	snop;
	(pc) =	sbr.ind lr, $3  }
0x3a: {  	_ = 	snop  }
0x3b: {  	_ = 	snop  }
0x3c: {  	p2 =	seq.s32 s10, $0x1;
	s10 =	sld [smem:$0x3FB3]  }
0x3d: {  	_ =	shalt  }
0x3e: {  	_ =	shalt  }
0x3f: {  	_ =	shalt  }
0x40: {  	_ =	shalt  }
0x41: {  	_ =	shalt  }
0x42: {  	_ =	shalt  }
0x43: {  	_ =	shalt  }
0x44: {  	_ =	shalt  }
0x45: {  	_ =	shalt  }
0x46: {  	_ =	shalt  }
0x47: {  	_ =	shalt  }
0x48: {  	_ =	shalt  }
0x49: {  	_ =	shalt  }
0x4a: {  	_ =	shalt  }
0x4b: {  	_ =	shalt  }
0x4c: {  	_ =	shalt  }
0x4d: {  	_ =	shalt  }
0x4e: {  	_ =	shalt  }
0x4f: {  	_ =	shalt  }
0x50: {  	_ =	shalt  }
0x51: {  	_ =	shalt  }
0x52: {  	_ =	shalt  }
0x53: {  	_ =	shalt  }
0x54: {  	_ =	shalt  }
0x55: {  	_ =	shalt  }
0x56: {  	_ =	shalt  }
0x57: {  	_ =	shalt  }
0x58: {  	_ =	shalt  }
0x59: {  	_ =	shalt  }
0x5a: {  	_ =	shalt  }
0x5b: {  	_ =	shalt  }
0x5c: {  	_ =	shalt  }
0x5d: {  	_ =	shalt  }
0x5e: {  	_ =	shalt  }
0x5f: {  	_ =	shalt  }
0x60: {  	_ =	shalt  }
0x61: {  	_ =	shalt  }
0x62: {  	_ =	shalt  }
0x63: {  	_ =	shalt  }
0x64: {  	_ =	shalt  }
0x65: {  	_ =	shalt  }
0x66: {  	_ =	shalt  }
0x67: {  	_ =	shalt  }
0x68: {  	_ =	shalt  }
0x69: {  	_ =	shalt  }
0x6a: {  	_ =	shalt  }
0x6b: {  	_ =	shalt  }
0x6c: {  	_ =	shalt  }
0x6d: {  	_ =	shalt  }
0x6e: {  	_ =	shalt  }
0x6f: {  	_ =	shalt  }
0x70: {  	_ =	shalt  }
0x71: {  	_ =	shalt  }
0x72: {  	_ =	shalt  }
0x73: {  	_ =	shalt  }
0x74: {  	_ =	shalt  }
0x75: {  	_ =	shalt  }
0x76: {  	_ =	shalt  }
0x77: {  	_ =	shalt  }
0x78: {  	_ =	shalt  }
0x79: {  	_ =	shalt  }
0x7a: {  	_ =	shalt  }
0x7b: {  	_ =	shalt  }
0x7c: {  	_ =	shalt  }
0x7d: {  	_ =	shalt  }
0x7e: {  	_ =	shalt  }
0x7f: {  	_ =	shalt  }
0x80: {  	_ =	shalt  }
0x81: {  	_ =	shalt  }
0x82: {  	_ =	shalt  }
0x83: {  	_ =	shalt  }
0x84: {  	_ =	shalt  }
0x85: {  	_ =	shalt  }
0x86: {  	_ =	shalt  }
0x87: {  	_ =	shalt  }
.Lfunc_end0:
.L_simem_size_0:
called_computation.1_lowered:
.L_overlay_start_0:
0x88: {  	s2 =	sld [smem:$0x3FD9]  }
0x89: {  	s3 =	sld [smem:$0x3FFE];
	_ =	sdelay $0x1  }
0x8a: {  	s1 =	srdreg.scid  }
0x8b: {  	s0 =	sand.u32 $0x1, s1  }
0x8c: {  	s16 =	sshll.u32 s0, $0xA;
	s2 =	sadd.s32 s3, s2  }
0x8d: {  	s2 =	sadd.s32 s2, s16  }
0x8e: {  	[smem:$0x3FBF] =	sst s2  }
0x8f: {  	_ = 	snop  }
0x90: {  	(tm) =	ssettm $0x1  }
0x91: {  	s17 =	sld [smem:$0x3FFB];
	_ =	sdelay $0x3  }
0x92: {  	_ =	strace s17  }
0x93: {  	s2 =	sld [smem:$0x3FFC];
	_ =	sdelay $0x3  }
0x94: {  	_ =	strace s2  }
0x95: {  	s2 =	sld [smem:$0x3FFD];
	_ =	sdelay $0x3  }
0x96: {  	_ =	strace s2  }
0x97: {  	_ =	strace $0x8FFFFFFF  }
0x98: {  	s18 =	sld [smem:$0x3FDB];
	_ =	sdelay $0x1  }
0x99: {  	s19 =	simm.s32 $_scs_section_size  }
0x9a: {  	s4 =	simm.s32 $_size__tile_overlayer_lowered;
	s5 =	simm.s32 $_tile_overlayer_lowered  }
0x9b: {  	s22 =	simm.s32 $0x1BFF;
	s21 =	sshll.u32 s5, $0x1;
	s2 =	sadd.s32 s19, s18  }
0x9c: {  	s6 =	simm.s32 $0x0;
	s20 =	sshll.u32 s4, $0x1;
	s4 =	sadd.s32 s21, s2  }
0x9d: {  	[timem:s6], [sflag:s22] =	dma.local [hbm:s4], s20  }
0x9e: {  	_ =	swait.ge [sflag:s22], s20  }
0x9f: {  	s3 =	ssub.s32 $0x0, s20;
	[sflag:s22] =	ssyncset.done $0x0  }
0xa0: {  	[sflag:s22] =	ssyncadd.s32 s3;
	_ =	sdelay $0x1  }
0xa1: {  	s23 =	simm.s32 $0x1B8B  }
0xa2: {  	_ =	swait.ge [sflag:s23], $0x1  }
0xa3: {  	[sflag:s23] =	ssyncset.done $0x0  }
0xa4: {  	s25 =	simm.s32 $0x1B8E;
	s24 =	sld [smem:$0x3FFE];
	[sflag:s23] =	ssyncadd.s32 $0xFFFFFFFF  }
0xa5: {  	s26 =	simm.s32 $execute0_lowered;
	[smem:$0x3FD2] =	sst s25  }
0xa6: {  	s4 =	sshll.u32 s26, $0x1;
	_ =	strace $0x80000049;
	[dreg:$0x1] =	wrdreg $0xFFFFFFFF  }
0xa7: {  	s28 =	simm.s32 $_size_execute0_lowered;
	s2 =	sadd.s32 s2, s4;
	[dreg:$0x0] =	wrdreg $0x0  }
0xa8: {  	s4 =	sshll.u32 s28, $0x1;
	[dreg:$0x2] =	wrdreg s2  }
0xa9: {  	[dreg:$0x3] =	wrdreg s4  }
0xaa: {  	[dreg:$0x4] =	wrdreg $0xC0  }
0xab: {  	_ =	task [dreg:s6], $0x5FFFF  }
0xac: {  	[dreg:$0x1] =	wrdreg $0xFFFFFFFF  }
0xad: {  	[dreg:$0x0] =	wrdreg $0x60  }
0xae: {  	[dreg:$0x2] =	wrdreg s24  }
0xaf: {  	[dreg:$0x3] =	wrdreg $0x0  }
0xb0: {  	[dreg:$0x4] =	wrdreg $0x9  }
0xb1: {  	_ =	task.clear_ibuf [dreg:s6], $0x5FFFF;
	_ =	strace $0x90000049  }
0xb2: {  	s29 =	simm.s32 $0x9;
	_ =	strace $0x8000004B  }
0xb3: {  	_ =	swait.ge [sflag:s29], $0x1  }
0xb4: {  	[sflag:s29] =	ssyncadd.s32 $0xFFFFFFFF  }
0xb5: {  	_ =	strace $0x9000004B  }
0xb6: {  	_ =	sfence  }
0xb7: {  	s30 =	sld [smem:$0x0];
	_ =	sdelay $0x2  }
0xb8: {  	s31 =	sshll.u32 s1, $0xD;
	s1 =	sshrl.u32 s1, $0x2  }
0xb9: {  	s3 =	sand.u32 $0x4000, s31;
	s1 =	sadd.s32 s1, s30  }
0xba: {  	s0 =	sor.u32 s3, s0;
	s1 =	sshll.u32 s1, $0x11  }
0xbb: {  	s0 =	sor.u32 s1, s0  }
0xbc: {  	s0 =	sadd.s32 $0x8F2B, s0  }
0xbd: {  	[sflag:s0] =	ssyncadd.remote.s32 $0x1  }
0xbe: {  	_ =	sfence.sel $0xFFFF  }
0xbf: {  	[dreg:$0x0] =	wrdreg $0xFFFFFFFF;
	(pc) =	sbr.abs _section_cstart, $3  }
0xc0: {  	[dreg:$0x1] =	wrdreg $0xFFFFFFFF  }
0xc1: {  	_ =	task.clear_ibuf [dreg:s6], $0x2FFFF;
	_ =	strace $0x9FFFFFFF  }
0xc2: {  	(tm) =	ssettm $0x7FFFFFFF  }
0xc3: {  	_ =	shalt  }
tec
execute0_lowered:
.L_overlay_start_1:
0x0: {  	(tag) =	ssettag $0x1  }
0x1: {  	s5 =	rddreg [dreg:$0x0]  }
0x2: {  	s2 =	rddreg [dreg:$0x1]  }
0x3: {  	s0 =	rddreg [dreg:$0x2]  }
0x4: {  	s4 =	srdreg.scid;
	s1 =	stileid.u32;
	s3 =	simm.s32 $0x0  }
0x5: {  	s17 =	simm.s32 $0x80;
	s18 =	simm.s32 $0x14100;
	s19 =	simm.s32 $0x1  }
0x6: {  	s20 =	simm.s32 $0x18100;
	s21 =	simm.s32 $0x18180;
	s6 =	sand.u32 $0x1, s4  }
0x7: {  	s7 =	smul.u32 $0x14000, s1;
	[smem:$0x7FF] =	sst s3;
	s4 =	sadd.s32 $0x16E00, s5  }
0x8: {  	s12 =	sadd.s32 $0x3200, s5;
	s11 =	sadd.s32 $0xD000, s5;
	s9 =	smul.u32 $0x50000, s1  }
0x9: {  	s10 =	sshll.u32 s1, $0x1;
	s25 =	smul.u32 $0x4E20, s1;
	s30 =	sshll.u32 s1, $0x6  }
0xa: {  	s8 =	smul.u32 $0x140000, s6;
	_ =	strace $0x8000004A;
	s22 =	ssub.s32 $0x2, s6  }
0xb: {  	s23 =	sor.u32 s6, s10;
	s29 =	smul.u32 $0x2710, s6;
	s6 =	sor.u32 $0x1C02, s30  }
0xc: {  	s24 =	sshrl.u32 s22, $0x1;
	s9 =	sshrl.u32 s9, $0x2;
	s26 =	sshrl.u32 s7, $0x3  }
0xd: {  	s8 =	sadd.s32 s7, s8;
	s10 =	ssub.s32 s22, s24;
	s14 =	sadd.s32 s9, s2  }
0xe: {  	s16 =	sadd.s32 s29, s25;
	s22 =	simm.s32 $0x10;
	s8 =	sshrl.u32 s8, $0x3  }
0xf: {  	s24 =	simm.s32 $0x0;
	s13 =	sadd.s32 s8, s5;
	s8 =	smul.u32 $0x2710, s23  }
0x10: {  	s31 =	sshrl.u32 s16, $0x3;
	s10 =	smax.u32 s10, $0x1;
	s16 =	simm.s32 $0x14080  }
0x11: {  	s5 =	sadd.s32 s4, s26;
	s23 =	simm.s32 $0x18200;
	s28 =	sshrl.u32 s8, $0x3  }
0x12: {  	s9 =	sadd.s32 $0x66E00, s13;
	s13 =	sshrl.u32 s14, $0x3;
	s15 =	sadd.s32 $0x4E0, s28  }
0x13: {  	s14 =	simm.s32 $0x2;
	s7 =	sadd.s32 s12, s15;
	s8 =	sadd.s32 s11, s15  }
0x14: {  	s11 =	sadd.s32 s31, s11;
	s12 =	sadd.s32 s31, s12;
	s15 =	simm.s32 $0x14000  }
.LBB2_1:
0x15: {  	[spmem:s13], [sflag:s6] =	dma.local [hbm:s5], $0x2800  }
0x16: {  	_ =	swait.ge [sflag:s14], $0x2800  }
0x17: {  	[sflag:s14] =	ssyncset.done $0x0  }
0x18: {  	[sflag:s14] =	ssyncadd.s32 $0xFFFFD800  }
0x19: {  	s25 =	sadd.s32 $0x0, s12;
	[bflag:$0x0] =	sbarrier.arrive $0xFFFF  }
0x1a: {  	[tilespmem:s15], [sflag:$0x2] =	stream.linear.gather [hbm4b:s25+s3], $0x80, $0x38;
	[tilespmem:$0x18A00] =	vst v63  }
0x1b: {  	_ =	swait.ge [sflag:s14], $0x80  }
0x1c: {  	[sflag:s14] =	ssyncset.done $0x0  }
0x1d: {  	s31 =	sadd.s32 $0x0, s11;
	[sflag:s14] =	ssyncadd.s32 $0xFFFFFF80  }
0x1e: {  	[tilespmem:s16], [sflag:$0x2] =	stream.linear.gather [hbm4b:s31+s3], $0x80, $0x38;
	[tilespmem:$0x18A00] =	vst v63  }
0x1f: {  	_ =	swait.ge [sflag:s14], $0x80  }
0x20: {  	[sflag:s14] =	ssyncset.done $0x0  }
0x21: {  	[sflag:s14] =	ssyncadd.s32 $0xFFFFFF80  }
0x22: {  	[tilespmem:s18], [sflag:$0x1] =	stream.indirect.gather [hbm4b:s4+s17], $0x80, s15, s17, $0xb8;
	[tilespmem:$0x18A00] =	vst v63  }
0x23: {  	_ =	swait.ge [sflag:s19], $0x4000  }
0x24: {  	[sflag:s19] =	ssyncset.done $0x0  }
0x25: {  	[sflag:s19] =	ssyncadd.s32 $0xFFFFC000  }
0x26: {  	[spmem:s2] =	stream.indirect.scatter.add.f32 [tilespmem:s18], [sflag:$0x2], $0x80, s16, s17, $0xb8;
	[tilespmem:$0x18A00] =	vst v63  }
0x27: {  	_ =	swait.ge [sflag:s14], $0x4000  }
0x28: {  	s26 =	simm.s32 $0x20;
	s25 =	simm.s32 $0x10;
	[sflag:s14] =	ssyncset.done $0x0  }
.LBB2_2:
0x29: {  	s28 =	sadd.s32 s25, s12  }
0x2a: {  	[sflag:s14] =	ssyncadd.s32 $0xFFFFC000;
	s29 =	smov.u32 s26;
	s30 =	sadd.s32 $0x10, s26  }
0x2b: {  	[tilespmem:s15], [sflag:$0x2] =	stream.linear.gather [hbm4b:s28+s3], $0x80, $0x38;
	[tilespmem:$0x18A00] =	vst v63  }
0x2c: {  	p0 =	sne.s32 s26, $0x4D0;
	_ =	swait.ge [sflag:s14], $0x80  }
0x2d: {  	[sflag:s14] =	ssyncset.done $0x0  }
0x2e: {  	s26 =	sadd.s32 s25, s11;
	s25 =	smov.u32 s29;
	[sflag:s14] =	ssyncadd.s32 $0xFFFFFF80  }
0x2f: {  	[tilespmem:s16], [sflag:$0x2] =	stream.linear.gather [hbm4b:s26+s3], $0x80, $0x38;
	[tilespmem:$0x18A00] =	vst v63  }
0x30: {  	_ =	swait.ge [sflag:s14], $0x80  }
0x31: {  	[sflag:s14] =	ssyncset.done $0x0  }
0x32: {  	[sflag:s14] =	ssyncadd.s32 $0xFFFFFF80  }
0x33: {  	[tilespmem:s18], [sflag:$0x1] =	stream.indirect.gather [hbm4b:s4+s17], $0x80, s15, s17, $0xb8;
	[tilespmem:$0x18A00] =	vst v63  }
0x34: {  	_ =	swait.ge [sflag:s19], $0x4000  }
.Ltmp0:
0x35: {  	[sflag:s19] =	ssyncset.done $0x0;
	(pc) =	sbr.rel @p0 .LBB2_2-.Ltmp0, $4  }
0x36: {  	[sflag:s19] =	ssyncadd.s32 $0xFFFFC000  }
0x37: {  	[spmem:s2] =	stream.indirect.scatter.add.f32 [tilespmem:s18], [sflag:$0x2], $0x80, s16, s17, $0xb8;
	[tilespmem:$0x18A00] =	vst v63  }
0x38: {  	_ =	swait.ge [sflag:s14], $0x4000  }
0x39: {  	s26 =	smov.u32 s30;
	[sflag:s14] =	ssyncset.done $0x0  }
0x3a: {  	s26 =	sadd.s32 s25, s12;
	[sflag:s14] =	ssyncadd.s32 $0xFFFFC000  }
0x3b: {  	[tilespmem:s15], [sflag:$0x2] =	stream.linear.gather [hbm4b:s26+s3], $0x80, $0x38;
	[tilespmem:$0x18A00] =	vst v63  }
0x3c: {  	_ =	swait.ge [sflag:s14], $0x80  }
0x3d: {  	[sflag:s14] =	ssyncset.done $0x0  }
0x3e: {  	s31 =	sadd.s32 s25, s11;
	[sflag:s14] =	ssyncadd.s32 $0xFFFFFF80  }
0x3f: {  	[tilespmem:s16], [sflag:$0x2] =	stream.linear.gather [hbm4b:s31+s3], $0x80, $0x38;
	[tilespmem:$0x18A00] =	vst v63  }
0x40: {  	_ =	swait.ge [sflag:s14], $0x80  }
0x41: {  	[sflag:s14] =	ssyncset.done $0x0  }
0x42: {  	[sflag:s14] =	ssyncadd.s32 $0xFFFFFF80  }
0x43: {  	[tilespmem:s18], [sflag:$0x1] =	stream.indirect.gather [hbm4b:s4+s17], $0x80, s15, s17, $0xb8;
	[tilespmem:$0x18A00] =	vst v63  }
0x44: {  	_ =	swait.ge [sflag:s19], $0x4000  }
0x45: {  	[sflag:s19] =	ssyncset.done $0x0  }
0x46: {  	[sflag:s19] =	ssyncadd.s32 $0xFFFFC000  }
0x47: {  	[spmem:s2] =	stream.indirect.scatter.add.f32 [tilespmem:s18], [sflag:$0x2], $0x80, s16, s17, $0xb8;
	[tilespmem:$0x18A00] =	vst v63  }
0x48: {  	_ =	swait.ge [sflag:s14], $0x4000  }
0x49: {  	[sflag:s14] =	ssyncset.done $0x0  }
0x4a: {  	[sflag:s14] =	ssyncadd.s32 $0xFFFFC000  }
0x4b: {  	[tilespmem:s20], [sflag:$0x2] =	stream.linear.gather [hbm4b:s7+s3], $0x10, $0x38;
	[tilespmem:$0x18A00] =	vst v63  }
0x4c: {  	_ =	swait.ge [sflag:s14], $0x10  }
0x4d: {  	[sflag:s14] =	ssyncset.done $0x0  }
0x4e: {  	[sflag:s14] =	ssyncadd.s32 $0xFFFFFFF0  }
0x4f: {  	[tilespmem:s21], [sflag:$0x2] =	stream.linear.gather [hbm4b:s8+s3], $0x10, $0x38;
	[tilespmem:$0x18A00] =	vst v63  }
0x50: {  	_ =	swait.ge [sflag:s14], $0x10  }
0x51: {  	[sflag:s14] =	ssyncset.done $0x0  }
0x52: {  	[sflag:s14] =	ssyncadd.s32 $0xFFFFFFF0  }
0x53: {  	[tilespmem:s23], [sflag:$0x1] =	stream.indirect.gather [hbm4b:s4+s22], $0x80, s20, s22, $0xb8;
	[tilespmem:$0x18A00] =	vst v63  }
0x54: {  	_ =	swait.ge [sflag:s19], $0x800  }
0x55: {  	[sflag:s19] =	ssyncset.done $0x0  }
0x56: {  	[sflag:s19] =	ssyncadd.s32 $0xFFFFF800  }
0x57: {  	[spmem:s2] =	stream.indirect.scatter.add.f32 [tilespmem:s23], [sflag:$0x2], $0x80, s21, s22, $0xb8;
	[tilespmem:$0x18A00] =	vst v63  }
0x58: {  	_ =	swait.ge [sflag:s14], $0x800  }
0x59: {  	s24 =	sadd.s32 $0x1, s24;
	[sflag:s14] =	ssyncset.done $0x0  }
0x5a: {  	p0 =	sne.s32 s24, s10;
	[sflag:s14] =	ssyncadd.s32 $0xFFFFF800  }
.Ltmp1:
0x5b: {  	[bflag:$0x0] =	sbarrier.arrive $0xFFFF;
	(pc) =	sbr.rel @p0 .LBB2_1-.Ltmp1, $4  }
0x5c: {  	[hbm:s9], [sflag:s6] =	dma.local [spmem:s13], $0x2800  }
0x5d: {  	_ =	swait.ge [sflag:s14], $0x2800  }
0x5e: {  	[sflag:s14] =	ssyncset.done $0x0  }
0x5f: {  	[sflag:s14] =	ssyncadd.s32 $0xFFFFD800  }
0x60: {  	_ =	sfence.sel $0x180000  }
0x61: {  	[bflag:$0x0] =	sbarrier.arrive $0xFFFF  }
0x62: {  	p0 =	sne.s32 s1, $0x0;
	_ =	strace $0x9000004A  }
0x63: {  	s0 =	sadd.s32 @!p0 $0x100000, s0;
	[bflag:$0x2] =	sbarrier.arrive $0xFFFF  }
0x64: {  	[sflag:s0] =	ssyncadd.tile.s32 @!p0 $0x1;
	_ =	shalt  }
.Lfunc_end2:
_tile_overlayer_lowered:
.L_overlay_start_2:
0x65: {  	(tag) =	ssettag $0x2  }
0x66: {  	s0 =	rddreg [dreg:$0x0];
	s2 =	stileid.u32  }
0x67: {  	s1 =	rddreg [dreg:$0x1];
	p0 =	sne.s32 s2, $0x0  }
0x68: {  	s3 =	rddreg [dreg:$0x2];
	[bflag:$0x3] =	sbarrier.arrive $0xFFFF;
	s2 =	simm.s32 @!p0 $0x1C02  }
0x69: {  	[timem:s3], [sflag:s2] =	dma.local @!p0 [hbm:s0], s1  }
0x6a: {  	s0 =	simm.s32 @!p0 $0x2  }
0x6b: {  	_ =	swait.ge @!p0 [sflag:s0], s1  }
0x6c: {  	s1 =	ssub.s32 @!p0 $0x0, s1;
	[sflag:s0] =	ssyncset.done @!p0 $0x0  }
0x6d: {  	[sflag:s0] =	ssyncadd.s32 @!p0 s1  }
0x6e: {  	[bflag:$0x3] =	sbarrier.arrive $0xFFFF  }
0x6f: {  	_ =	shalt  }

// kernel: kernel.14.cloned.1.call-start
scs
__scs_entry_jumppad:
0x0: {  	(pc) =	sbr.rel $0x88, $3  }
0x1: {  	(tag) =	ssettag $0x0;
	lr =	simm.s32 $0x1  }
0x2: {  	[smem:$0x3F98] =	sst lr;
	_ =	strace $0xD0000000  }
0x3: {  	_ = 	snop  }
0x4: {  	_ = 	snop  }
0x5: {  	_ = 	snop  }
0x6: {  	_ = 	snop  }
0x7: {  	_ = 	snop  }
__scs_overlays_trampoline_lowered:
0x8: {  	[smem:$0x3FA7] =	sst s0  }
0x9: {  	[smem:$0x3FA8] =	sst s1  }
0xa: {  	[smem:$0x3FA9] =	sst s2  }
0xb: {  	[smem:$0x3FAA] =	sst s3  }
0xc: {  	[smem:$0x3FAB] =	sst s4  }
0xd: {  	[smem:$0x3FAC] =	sst s5  }
0xe: {  	[smem:$0x3FAD] =	sst s6  }
0xf: {  	[smem:$0x3FAE] =	sst s7  }
0x10: {  	[smem:$0x3FAF] =	sst s8  }
0x11: {  	[smem:$0x3FB0] =	sst s9;
	s0 =	simm.s32 @!p0 $0x0  }
0x12: {  	s1 =	sld [smem:$0x3F96];
	s0 =	simm.s32 @p0 $0x1  }
0x13: {  	[smem:$0x3FB1] =	sst s0;
	s0 =	simm.s32 @!p1 $0x0  }
0x14: {  	s2 =	sld [smem:$0x3F95];
	s0 =	simm.s32 @p1 $0x1  }
0x15: {  	[smem:$0x3FB2] =	sst s0;
	s0 =	simm.s32 @!p2 $0x0  }
0x16: {  	s3 =	sld [smem:$0x3FDB];
	s0 =	simm.s32 @p2 $0x1  }
0x17: {  	s4 =	simm.s32 $0x1BF5;
	[smem:$0x3FB4] =	sst s0  }
0x18: {  	s0 =	sld [smem:$0x3F97];
	_ =	swait.ge [sflag:s4], $0x0  }
0x19: {  	s7 =	sld [smem:$0x3F98]  }
0x1a: {  	s8 =	sadd.s32 $0xFFFFE003, lr  }
0x1b: {  	s9 =	sadd.s32 $0xFFFFFEF7, lr;
	s5 =	simm.s32 $0xFFFFFFFF;
	p2 =	slt.u32 s8, $0xFFFFF086  }
0x1c: {  	p1 =	slt.u32 s9, $0xF7A;
	s5 =	simm.s32 @!p2 $0x0  }
0x1d: {  	s5 =	simm.s32 @p1 $0x1;
	p0 =	seq.s32 s7, s2  }
0x1e: {  	s7 =	smul.u32 @!p0 $0xF7A, s2;
	p2 =	seq.s32 @!p0 s5, $0x0  }
0x1f: {  	s9 =	smul.u32 $0xF7A, s1;
	s8 =	simm.s32 @!p0 $0x1BF5;
	p2 =	por !p2, p0  }
0x20: {  	[sflag:s8] =	ssyncset.s32 @!p0 $0xFFFFF086;
	s6 =	sadd.s32 @!p0 s3, s7;
	s7 =	simm.s32 @!p0 $0x108  }
0x21: {  	s3 =	sadd.s32 s3, s9;
	s6 =	sadd.s32 @!p0 $0x88, s6;
	s7 =	simm.s32 @p2 $0x1082  }
0x22: {  	[simem:s7], [sflag:s8] =	dma.local @!p0 [hbm:s6], $0xF7A  }
0x23: {  	s9 =	sor.u32 $0xD0000000, s2;
	s6 =	simm.s32 $0x108;
	_ =	swait.ge @!p0 [sflag:s8], $0x0  }
0x24: {  	s3 =	sadd.s32 $0x88, s3;
	s6 =	simm.s32 @!p1 $0x1082;
	[sflag:s4] =	ssyncset.s32 $0xFFFFF086  }
0x25: {  	[simem:s6], [sflag:s4] =	dma.local [hbm:s3], $0xF7A  }
0x26: {  	[smem:$0x3F98] =	sst s1;
	(tag) =	ssettag s2;
	_ =	strace s9  }
0x27: {  	s1 =	sld [smem:$0x3FA8]  }
0x28: {  	s2 =	sld [smem:$0x3FA9]  }
0x29: {  	s4 =	sld [smem:$0x3FAB]  }
0x2a: {  	p0 =	seq.s32 s5, $0x0;
	s5 =	sld [smem:$0x3FAC]  }
0x2b: {  	s6 =	sld [smem:$0x3FAD]  }
0x2c: {  	s7 =	sld [smem:$0x3FAE]  }
0x2d: {  	s3 =	simm.s32 $0x108;
	s8 =	sld [smem:$0x3FAF]  }
0x2e: {  	s3 =	simm.s32 @!p0 $0x1082;
	s9 =	sld [smem:$0x3FB0]  }
0x2f: {  	lr =	sadd.s32 s0, s3;
	s0 =	sld [smem:$0x3FA7]  }
0x30: {  	s3 =	sld [smem:$0x3FAA]  }
0x31: {  	[smem:$0x3FB3] =	sst s10  }
0x32: {  	s10 =	sld [smem:$0x3FB1];
	_ =	sdelay $0x3  }
0x33: {  	p0 =	seq.s32 s10, $0x1;
	s10 =	sld [smem:$0x3FB3];
	_ =	sdelay $0x3  }
0x34: {  	[smem:$0x3FB3] =	sst s10  }
0x35: {  	s10 =	sld [smem:$0x3FB2];
	_ =	sdelay $0x3  }
0x36: {  	p1 =	seq.s32 s10, $0x1;
	s10 =	sld [smem:$0x3FB3];
	_ =	sdelay $0x3  }
0x37: {  	[smem:$0x3FB3] =	sst s10  }
0x38: {  	s10 =	sld [smem:$0x3FB4]  }
0x39: {  	_ = 	snop;
	(pc) =	sbr.ind lr, $3  }
0x3a: {  	_ = 	snop  }
0x3b: {  	_ = 	snop  }
0x3c: {  	p2 =	seq.s32 s10, $0x1;
	s10 =	sld [smem:$0x3FB3]  }
0x3d: {  	_ =	shalt  }
0x3e: {  	_ =	shalt  }
0x3f: {  	_ =	shalt  }
0x40: {  	_ =	shalt  }
0x41: {  	_ =	shalt  }
0x42: {  	_ =	shalt  }
0x43: {  	_ =	shalt  }
0x44: {  	_ =	shalt  }
0x45: {  	_ =	shalt  }
0x46: {  	_ =	shalt  }
0x47: {  	_ =	shalt  }
0x48: {  	_ =	shalt  }
0x49: {  	_ =	shalt  }
0x4a: {  	_ =	shalt  }
0x4b: {  	_ =	shalt  }
0x4c: {  	_ =	shalt  }
0x4d: {  	_ =	shalt  }
0x4e: {  	_ =	shalt  }
0x4f: {  	_ =	shalt  }
0x50: {  	_ =	shalt  }
0x51: {  	_ =	shalt  }
0x52: {  	_ =	shalt  }
0x53: {  	_ =	shalt  }
0x54: {  	_ =	shalt  }
0x55: {  	_ =	shalt  }
0x56: {  	_ =	shalt  }
0x57: {  	_ =	shalt  }
0x58: {  	_ =	shalt  }
0x59: {  	_ =	shalt  }
0x5a: {  	_ =	shalt  }
0x5b: {  	_ =	shalt  }
0x5c: {  	_ =	shalt  }
0x5d: {  	_ =	shalt  }
0x5e: {  	_ =	shalt  }
0x5f: {  	_ =	shalt  }
0x60: {  	_ =	shalt  }
0x61: {  	_ =	shalt  }
0x62: {  	_ =	shalt  }
0x63: {  	_ =	shalt  }
0x64: {  	_ =	shalt  }
0x65: {  	_ =	shalt  }
0x66: {  	_ =	shalt  }
0x67: {  	_ =	shalt  }
0x68: {  	_ =	shalt  }
0x69: {  	_ =	shalt  }
0x6a: {  	_ =	shalt  }
0x6b: {  	_ =	shalt  }
0x6c: {  	_ =	shalt  }
0x6d: {  	_ =	shalt  }
0x6e: {  	_ =	shalt  }
0x6f: {  	_ =	shalt  }
0x70: {  	_ =	shalt  }
0x71: {  	_ =	shalt  }
0x72: {  	_ =	shalt  }
0x73: {  	_ =	shalt  }
0x74: {  	_ =	shalt  }
0x75: {  	_ =	shalt  }
0x76: {  	_ =	shalt  }
0x77: {  	_ =	shalt  }
0x78: {  	_ =	shalt  }
0x79: {  	_ =	shalt  }
0x7a: {  	_ =	shalt  }
0x7b: {  	_ =	shalt  }
0x7c: {  	_ =	shalt  }
0x7d: {  	_ =	shalt  }
0x7e: {  	_ =	shalt  }
0x7f: {  	_ =	shalt  }
0x80: {  	_ =	shalt  }
0x81: {  	_ =	shalt  }
0x82: {  	_ =	shalt  }
0x83: {  	_ =	shalt  }
0x84: {  	_ =	shalt  }
0x85: {  	_ =	shalt  }
0x86: {  	_ =	shalt  }
0x87: {  	_ =	shalt  }
.Lfunc_end0:
.L_simem_size_0:
called_computation.2_lowered:
.L_overlay_start_0:
0x88: {  	s2 =	sld [smem:$0x3FD9]  }
0x89: {  	s3 =	sld [smem:$0x3FFE];
	_ =	sdelay $0x1  }
0x8a: {  	s1 =	srdreg.scid  }
0x8b: {  	s0 =	sand.u32 $0x1, s1  }
0x8c: {  	s16 =	sshll.u32 s0, $0xA;
	s2 =	sadd.s32 s3, s2  }
0x8d: {  	s2 =	sadd.s32 s2, s16  }
0x8e: {  	[smem:$0x3FBF] =	sst s2  }
0x8f: {  	_ = 	snop  }
0x90: {  	(tm) =	ssettm $0x1  }
0x91: {  	s17 =	sld [smem:$0x3FFB];
	_ =	sdelay $0x3  }
0x92: {  	_ =	strace s17  }
0x93: {  	s2 =	sld [smem:$0x3FFC];
	_ =	sdelay $0x3  }
0x94: {  	_ =	strace s2  }
0x95: {  	s2 =	sld [smem:$0x3FFD];
	_ =	sdelay $0x3  }
0x96: {  	_ =	strace s2  }
0x97: {  	_ =	strace $0x8FFFFFFF  }
0x98: {  	s18 =	sld [smem:$0x3FDB];
	_ =	sdelay $0x1  }
0x99: {  	s19 =	simm.s32 $_scs_section_size  }
0x9a: {  	s4 =	simm.s32 $_size__tile_overlayer_lowered;
	s5 =	simm.s32 $_tile_overlayer_lowered  }
0x9b: {  	s22 =	simm.s32 $0x1BFF;
	s21 =	sshll.u32 s5, $0x1;
	s2 =	sadd.s32 s19, s18  }
0x9c: {  	s6 =	simm.s32 $0x0;
	s20 =	sshll.u32 s4, $0x1;
	s4 =	sadd.s32 s21, s2  }
0x9d: {  	[timem:s6], [sflag:s22] =	dma.local [hbm:s4], s20  }
0x9e: {  	_ =	swait.ge [sflag:s22], s20  }
0x9f: {  	s3 =	ssub.s32 $0x0, s20;
	[sflag:s22] =	ssyncset.done $0x0  }
0xa0: {  	[sflag:s22] =	ssyncadd.s32 s3;
	_ =	sdelay $0x1  }
0xa1: {  	s23 =	simm.s32 $0x1B8B  }
0xa2: {  	_ =	swait.ge [sflag:s23], $0x1  }
0xa3: {  	[sflag:s23] =	ssyncset.done $0x0  }
0xa4: {  	s25 =	simm.s32 $0x1B8E;
	s24 =	sld [smem:$0x3FFE];
	[sflag:s23] =	ssyncadd.s32 $0xFFFFFFFF  }
0xa5: {  	s26 =	simm.s32 $execute0_lowered;
	[smem:$0x3FD2] =	sst s25  }
0xa6: {  	s4 =	sshll.u32 s26, $0x1;
	_ =	strace $0x8000004C;
	[dreg:$0x1] =	wrdreg $0xFFFFFFFF  }
0xa7: {  	s28 =	simm.s32 $_size_execute0_lowered;
	s2 =	sadd.s32 s2, s4;
	[dreg:$0x0] =	wrdreg $0x0  }
0xa8: {  	s4 =	sshll.u32 s28, $0x1;
	[dreg:$0x2] =	wrdreg s2  }
0xa9: {  	[dreg:$0x3] =	wrdreg s4  }
0xaa: {  	[dreg:$0x4] =	wrdreg $0xC0  }
0xab: {  	_ =	task [dreg:s6], $0x5FFFF  }
0xac: {  	[dreg:$0x1] =	wrdreg $0xFFFFFFFF  }
0xad: {  	[dreg:$0x0] =	wrdreg $0x60  }
0xae: {  	[dreg:$0x2] =	wrdreg s24  }
0xaf: {  	[dreg:$0x3] =	wrdreg $0x0  }
0xb0: {  	[dreg:$0x4] =	wrdreg $0x9  }
0xb1: {  	_ =	task.clear_ibuf [dreg:s6], $0x5FFFF;
	_ =	strace $0x9000004C  }
0xb2: {  	s29 =	simm.s32 $0x9;
	_ =	strace $0x8000004E  }
0xb3: {  	_ =	swait.ge [sflag:s29], $0x1  }
0xb4: {  	[sflag:s29] =	ssyncadd.s32 $0xFFFFFFFF  }
0xb5: {  	_ =	strace $0x9000004E  }
0xb6: {  	_ =	sfence  }
0xb7: {  	s30 =	sld [smem:$0x0];
	_ =	sdelay $0x2  }
0xb8: {  	s31 =	sshll.u32 s1, $0xD;
	s1 =	sshrl.u32 s1, $0x2  }
0xb9: {  	s3 =	sand.u32 $0x4000, s31;
	s1 =	sadd.s32 s1, s30  }
0xba: {  	s0 =	sor.u32 s3, s0;
	s1 =	sshll.u32 s1, $0x11  }
0xbb: {  	s0 =	sor.u32 s1, s0  }
0xbc: {  	s0 =	sadd.s32 $0x8F2B, s0  }
0xbd: {  	[sflag:s0] =	ssyncadd.remote.s32 $0x1  }
0xbe: {  	_ =	sfence.sel $0xFFFF  }
0xbf: {  	[dreg:$0x0] =	wrdreg $0xFFFFFFFF;
	(pc) =	sbr.abs _section_cstart, $3  }
0xc0: {  	[dreg:$0x1] =	wrdreg $0xFFFFFFFF  }
0xc1: {  	_ =	task.clear_ibuf [dreg:s6], $0x2FFFF;
	_ =	strace $0x9FFFFFFF  }
0xc2: {  	(tm) =	ssettm $0x7FFFFFFF  }
0xc3: {  	_ =	shalt  }
tec
execute0_lowered:
.L_overlay_start_1:
0x0: {  	(tag) =	ssettag $0x1  }
0x1: {  	s5 =	rddreg [dreg:$0x0]  }
0x2: {  	s2 =	rddreg [dreg:$0x1]  }
0x3: {  	s0 =	rddreg [dreg:$0x2]  }
0x4: {  	s4 =	srdreg.scid;
	s1 =	stileid.u32;
	s3 =	simm.s32 $0x0  }
0x5: {  	s17 =	simm.s32 $0x80;
	s18 =	simm.s32 $0x14100;
	s19 =	simm.s32 $0x1  }
0x6: {  	s20 =	simm.s32 $0x18100;
	s21 =	simm.s32 $0x18180;
	s6 =	sand.u32 $0x1, s4  }
0x7: {  	s7 =	smul.u32 $0x14000, s1;
	[smem:$0x7FF] =	sst s3;
	s4 =	sadd.s32 $0x16E00, s5  }
0x8: {  	s12 =	sadd.s32 $0x3200, s5;
	s11 =	sadd.s32 $0xD000, s5;
	s9 =	smul.u32 $0x50000, s1  }
0x9: {  	s10 =	sshll.u32 s1, $0x1;
	s25 =	smul.u32 $0x4E20, s1;
	s30 =	sshll.u32 s1, $0x6  }
0xa: {  	s8 =	smul.u32 $0x140000, s6;
	_ =	strace $0x8000004D;
	s22 =	ssub.s32 $0x2, s6  }
0xb: {  	s23 =	sor.u32 s6, s10;
	s29 =	smul.u32 $0x2710, s6;
	s6 =	sor.u32 $0x1C02, s30  }
0xc: {  	s24 =	sshrl.u32 s22, $0x1;
	s9 =	sshrl.u32 s9, $0x2;
	s26 =	sshrl.u32 s7, $0x3  }
0xd: {  	s8 =	sadd.s32 s7, s8;
	s10 =	ssub.s32 s22, s24;
	s14 =	sadd.s32 s9, s2  }
0xe: {  	s16 =	sadd.s32 s29, s25;
	s22 =	simm.s32 $0x10;
	s8 =	sshrl.u32 s8, $0x3  }
0xf: {  	s24 =	simm.s32 $0x0;
	s13 =	sadd.s32 s8, s5;
	s8 =	smul.u32 $0x2710, s23  }
0x10: {  	s31 =	sshrl.u32 s16, $0x3;
	s10 =	smax.u32 s10, $0x1;
	s16 =	simm.s32 $0x14080  }
0x11: {  	s5 =	sadd.s32 s4, s26;
	s23 =	simm.s32 $0x18200;
	s28 =	sshrl.u32 s8, $0x3  }
0x12: {  	s9 =	sadd.s32 $0x66E00, s13;
	s13 =	sshrl.u32 s14, $0x3;
	s15 =	sadd.s32 $0x4E0, s28  }
0x13: {  	s14 =	simm.s32 $0x2;
	s7 =	sadd.s32 s12, s15;
	s8 =	sadd.s32 s11, s15  }
0x14: {  	s11 =	sadd.s32 s31, s11;
	s12 =	sadd.s32 s31, s12;
	s15 =	simm.s32 $0x14000  }
.LBB2_1:
0x15: {  	[spmem:s13], [sflag:s6] =	dma.local [hbm:s5], $0x2800  }
0x16: {  	_ =	swait.ge [sflag:s14], $0x2800  }
0x17: {  	[sflag:s14] =	ssyncset.done $0x0  }
0x18: {  	[sflag:s14] =	ssyncadd.s32 $0xFFFFD800  }
0x19: {  	s25 =	sadd.s32 $0x0, s12;
	[bflag:$0x0] =	sbarrier.arrive $0xFFFF  }
0x1a: {  	[tilespmem:s15], [sflag:$0x2] =	stream.linear.gather [hbm4b:s25+s3], $0x80, $0x38;
	[tilespmem:$0x18A00] =	vst v63  }
0x1b: {  	_ =	swait.ge [sflag:s14], $0x80  }
0x1c: {  	[sflag:s14] =	ssyncset.done $0x0  }
0x1d: {  	s31 =	sadd.s32 $0x0, s11;
	[sflag:s14] =	ssyncadd.s32 $0xFFFFFF80  }
0x1e: {  	[tilespmem:s16], [sflag:$0x2] =	stream.linear.gather [hbm4b:s31+s3], $0x80, $0x38;
	[tilespmem:$0x18A00] =	vst v63  }
0x1f: {  	_ =	swait.ge [sflag:s14], $0x80  }
0x20: {  	[sflag:s14] =	ssyncset.done $0x0  }
0x21: {  	[sflag:s14] =	ssyncadd.s32 $0xFFFFFF80  }
0x22: {  	[tilespmem:s18], [sflag:$0x1] =	stream.indirect.gather [hbm4b:s4+s17], $0x80, s15, s17, $0xb8;
	[tilespmem:$0x18A00] =	vst v63  }
0x23: {  	_ =	swait.ge [sflag:s19], $0x4000  }
0x24: {  	[sflag:s19] =	ssyncset.done $0x0  }
0x25: {  	[sflag:s19] =	ssyncadd.s32 $0xFFFFC000  }
0x26: {  	[spmem:s2] =	stream.indirect.scatter.add.f32 [tilespmem:s18], [sflag:$0x2], $0x80, s16, s17, $0xb8;
	[tilespmem:$0x18A00] =	vst v63  }
0x27: {  	_ =	swait.ge [sflag:s14], $0x4000  }
0x28: {  	s26 =	simm.s32 $0x20;
	s25 =	simm.s32 $0x10;
	[sflag:s14] =	ssyncset.done $0x0  }
.LBB2_2:
0x29: {  	s28 =	sadd.s32 s25, s12  }
0x2a: {  	[sflag:s14] =	ssyncadd.s32 $0xFFFFC000;
	s29 =	smov.u32 s26;
	s30 =	sadd.s32 $0x10, s26  }
0x2b: {  	[tilespmem:s15], [sflag:$0x2] =	stream.linear.gather [hbm4b:s28+s3], $0x80, $0x38;
	[tilespmem:$0x18A00] =	vst v63  }
0x2c: {  	p0 =	sne.s32 s26, $0x4D0;
	_ =	swait.ge [sflag:s14], $0x80  }
0x2d: {  	[sflag:s14] =	ssyncset.done $0x0  }
0x2e: {  	s26 =	sadd.s32 s25, s11;
	s25 =	smov.u32 s29;
	[sflag:s14] =	ssyncadd.s32 $0xFFFFFF80  }
0x2f: {  	[tilespmem:s16], [sflag:$0x2] =	stream.linear.gather [hbm4b:s26+s3], $0x80, $0x38;
	[tilespmem:$0x18A00] =	vst v63  }
0x30: {  	_ =	swait.ge [sflag:s14], $0x80  }
0x31: {  	[sflag:s14] =	ssyncset.done $0x0  }
0x32: {  	[sflag:s14] =	ssyncadd.s32 $0xFFFFFF80  }
0x33: {  	[tilespmem:s18], [sflag:$0x1] =	stream.indirect.gather [hbm4b:s4+s17], $0x80, s15, s17, $0xb8;
	[tilespmem:$0x18A00] =	vst v63  }
0x34: {  	_ =	swait.ge [sflag:s19], $0x4000  }
.Ltmp0:
0x35: {  	[sflag:s19] =	ssyncset.done $0x0;
	(pc) =	sbr.rel @p0 .LBB2_2-.Ltmp0, $4  }
0x36: {  	[sflag:s19] =	ssyncadd.s32 $0xFFFFC000  }
0x37: {  	[spmem:s2] =	stream.indirect.scatter.add.f32 [tilespmem:s18], [sflag:$0x2], $0x80, s16, s17, $0xb8;
	[tilespmem:$0x18A00] =	vst v63  }
0x38: {  	_ =	swait.ge [sflag:s14], $0x4000  }
0x39: {  	s26 =	smov.u32 s30;
	[sflag:s14] =	ssyncset.done $0x0  }
0x3a: {  	s26 =	sadd.s32 s25, s12;
	[sflag:s14] =	ssyncadd.s32 $0xFFFFC000  }
0x3b: {  	[tilespmem:s15], [sflag:$0x2] =	stream.linear.gather [hbm4b:s26+s3], $0x80, $0x38;
	[tilespmem:$0x18A00] =	vst v63  }
0x3c: {  	_ =	swait.ge [sflag:s14], $0x80  }
0x3d: {  	[sflag:s14] =	ssyncset.done $0x0  }
0x3e: {  	s31 =	sadd.s32 s25, s11;
	[sflag:s14] =	ssyncadd.s32 $0xFFFFFF80  }
0x3f: {  	[tilespmem:s16], [sflag:$0x2] =	stream.linear.gather [hbm4b:s31+s3], $0x80, $0x38;
	[tilespmem:$0x18A00] =	vst v63  }
0x40: {  	_ =	swait.ge [sflag:s14], $0x80  }
0x41: {  	[sflag:s14] =	ssyncset.done $0x0  }
0x42: {  	[sflag:s14] =	ssyncadd.s32 $0xFFFFFF80  }
0x43: {  	[tilespmem:s18], [sflag:$0x1] =	stream.indirect.gather [hbm4b:s4+s17], $0x80, s15, s17, $0xb8;
	[tilespmem:$0x18A00] =	vst v63  }
0x44: {  	_ =	swait.ge [sflag:s19], $0x4000  }
0x45: {  	[sflag:s19] =	ssyncset.done $0x0  }
0x46: {  	[sflag:s19] =	ssyncadd.s32 $0xFFFFC000  }
0x47: {  	[spmem:s2] =	stream.indirect.scatter.add.f32 [tilespmem:s18], [sflag:$0x2], $0x80, s16, s17, $0xb8;
	[tilespmem:$0x18A00] =	vst v63  }
0x48: {  	_ =	swait.ge [sflag:s14], $0x4000  }
0x49: {  	[sflag:s14] =	ssyncset.done $0x0  }
0x4a: {  	[sflag:s14] =	ssyncadd.s32 $0xFFFFC000  }
0x4b: {  	[tilespmem:s20], [sflag:$0x2] =	stream.linear.gather [hbm4b:s7+s3], $0x10, $0x38;
	[tilespmem:$0x18A00] =	vst v63  }
0x4c: {  	_ =	swait.ge [sflag:s14], $0x10  }
0x4d: {  	[sflag:s14] =	ssyncset.done $0x0  }
0x4e: {  	[sflag:s14] =	ssyncadd.s32 $0xFFFFFFF0  }
0x4f: {  	[tilespmem:s21], [sflag:$0x2] =	stream.linear.gather [hbm4b:s8+s3], $0x10, $0x38;
	[tilespmem:$0x18A00] =	vst v63  }
0x50: {  	_ =	swait.ge [sflag:s14], $0x10  }
0x51: {  	[sflag:s14] =	ssyncset.done $0x0  }
0x52: {  	[sflag:s14] =	ssyncadd.s32 $0xFFFFFFF0  }
0x53: {  	[tilespmem:s23], [sflag:$0x1] =	stream.indirect.gather [hbm4b:s4+s22], $0x80, s20, s22, $0xb8;
	[tilespmem:$0x18A00] =	vst v63  }
0x54: {  	_ =	swait.ge [sflag:s19], $0x800  }
0x55: {  	[sflag:s19] =	ssyncset.done $0x0  }
0x56: {  	[sflag:s19] =	ssyncadd.s32 $0xFFFFF800  }
0x57: {  	[spmem:s2] =	stream.indirect.scatter.add.f32 [tilespmem:s23], [sflag:$0x2], $0x80, s21, s22, $0xb8;
	[tilespmem:$0x18A00] =	vst v63  }
0x58: {  	_ =	swait.ge [sflag:s14], $0x800  }
0x59: {  	s24 =	sadd.s32 $0x1, s24;
	[sflag:s14] =	ssyncset.done $0x0  }
0x5a: {  	p0 =	sne.s32 s24, s10;
	[sflag:s14] =	ssyncadd.s32 $0xFFFFF800  }
.Ltmp1:
0x5b: {  	[bflag:$0x0] =	sbarrier.arrive $0xFFFF;
	(pc) =	sbr.rel @p0 .LBB2_1-.Ltmp1, $4  }
0x5c: {  	[hbm:s9], [sflag:s6] =	dma.local [spmem:s13], $0x2800  }
0x5d: {  	_ =	swait.ge [sflag:s14], $0x2800  }
0x5e: {  	[sflag:s14] =	ssyncset.done $0x0  }
0x5f: {  	[sflag:s14] =	ssyncadd.s32 $0xFFFFD800  }
0x60: {  	_ =	sfence.sel $0x180000  }
0x61: {  	[bflag:$0x0] =	sbarrier.arrive $0xFFFF  }
0x62: {  	p0 =	sne.s32 s1, $0x0;
	_ =	strace $0x9000004D  }
0x63: {  	s0 =	sadd.s32 @!p0 $0x100000, s0;
	[bflag:$0x2] =	sbarrier.arrive $0xFFFF  }
0x64: {  	[sflag:s0] =	ssyncadd.tile.s32 @!p0 $0x1;
	_ =	shalt  }
.Lfunc_end2:
_tile_overlayer_lowered:
.L_overlay_start_2:
0x65: {  	(tag) =	ssettag $0x2  }
0x66: {  	s0 =	rddreg [dreg:$0x0];
	s2 =	stileid.u32  }
0x67: {  	s1 =	rddreg [dreg:$0x1];
	p0 =	sne.s32 s2, $0x0  }
0x68: {  	s3 =	rddreg [dreg:$0x2];
	[bflag:$0x3] =	sbarrier.arrive $0xFFFF;
	s2 =	simm.s32 @!p0 $0x1C02  }
0x69: {  	[timem:s3], [sflag:s2] =	dma.local @!p0 [hbm:s0], s1  }
0x6a: {  	s0 =	simm.s32 @!p0 $0x2  }
0x6b: {  	_ =	swait.ge @!p0 [sflag:s0], s1  }
0x6c: {  	s1 =	ssub.s32 @!p0 $0x0, s1;
	[sflag:s0] =	ssyncset.done @!p0 $0x0  }
0x6d: {  	[sflag:s0] =	ssyncadd.s32 @!p0 s1  }
0x6e: {  	[bflag:$0x3] =	sbarrier.arrive $0xFFFF  }
0x6f: {  	_ =	shalt  }

// kernel: kernel.8.cloned.1.call-start
scs
__scs_entry_jumppad:
0x0: {  	(pc) =	sbr.rel $0x88, $3  }
0x1: {  	(tag) =	ssettag $0x0;
	lr =	simm.s32 $0x1  }
0x2: {  	[smem:$0x3F98] =	sst lr;
	_ =	strace $0xD0000000  }
0x3: {  	_ = 	snop  }
0x4: {  	_ = 	snop  }
0x5: {  	_ = 	snop  }
0x6: {  	_ = 	snop  }
0x7: {  	_ = 	snop  }
__scs_overlays_trampoline_lowered:
0x8: {  	[smem:$0x3FA7] =	sst s0  }
0x9: {  	[smem:$0x3FA8] =	sst s1  }
0xa: {  	[smem:$0x3FA9] =	sst s2  }
0xb: {  	[smem:$0x3FAA] =	sst s3  }
0xc: {  	[smem:$0x3FAB] =	sst s4  }
0xd: {  	[smem:$0x3FAC] =	sst s5  }
0xe: {  	[smem:$0x3FAD] =	sst s6  }
0xf: {  	[smem:$0x3FAE] =	sst s7  }
0x10: {  	[smem:$0x3FAF] =	sst s8  }
0x11: {  	[smem:$0x3FB0] =	sst s9;
	s0 =	simm.s32 @!p0 $0x0  }
0x12: {  	s1 =	sld [smem:$0x3F96];
	s0 =	simm.s32 @p0 $0x1  }
0x13: {  	[smem:$0x3FB1] =	sst s0;
	s0 =	simm.s32 @!p1 $0x0  }
0x14: {  	s2 =	sld [smem:$0x3F95];
	s0 =	simm.s32 @p1 $0x1  }
0x15: {  	[smem:$0x3FB2] =	sst s0;
	s0 =	simm.s32 @!p2 $0x0  }
0x16: {  	s3 =	sld [smem:$0x3FDB];
	s0 =	simm.s32 @p2 $0x1  }
0x17: {  	s4 =	simm.s32 $0x1BF5;
	[smem:$0x3FB4] =	sst s0  }
0x18: {  	s0 =	sld [smem:$0x3F97];
	_ =	swait.ge [sflag:s4], $0x0  }
0x19: {  	s7 =	sld [smem:$0x3F98]  }
0x1a: {  	s8 =	sadd.s32 $0xFFFFE003, lr  }
0x1b: {  	s9 =	sadd.s32 $0xFFFFFEF7, lr;
	s5 =	simm.s32 $0xFFFFFFFF;
	p2 =	slt.u32 s8, $0xFFFFF086  }
0x1c: {  	p1 =	slt.u32 s9, $0xF7A;
	s5 =	simm.s32 @!p2 $0x0  }
0x1d: {  	s5 =	simm.s32 @p1 $0x1;
	p0 =	seq.s32 s7, s2  }
0x1e: {  	s7 =	smul.u32 @!p0 $0xF7A, s2;
	p2 =	seq.s32 @!p0 s5, $0x0  }
0x1f: {  	s9 =	smul.u32 $0xF7A, s1;
	s8 =	simm.s32 @!p0 $0x1BF5;
	p2 =	por !p2, p0  }
0x20: {  	[sflag:s8] =	ssyncset.s32 @!p0 $0xFFFFF086;
	s6 =	sadd.s32 @!p0 s3, s7;
	s7 =	simm.s32 @!p0 $0x108  }
0x21: {  	s3 =	sadd.s32 s3, s9;
	s6 =	sadd.s32 @!p0 $0x88, s6;
	s7 =	simm.s32 @p2 $0x1082  }
0x22: {  	[simem:s7], [sflag:s8] =	dma.local @!p0 [hbm:s6], $0xF7A  }
0x23: {  	s9 =	sor.u32 $0xD0000000, s2;
	s6 =	simm.s32 $0x108;
	_ =	swait.ge @!p0 [sflag:s8], $0x0  }
0x24: {  	s3 =	sadd.s32 $0x88, s3;
	s6 =	simm.s32 @!p1 $0x1082;
	[sflag:s4] =	ssyncset.s32 $0xFFFFF086  }
0x25: {  	[simem:s6], [sflag:s4] =	dma.local [hbm:s3], $0xF7A  }
0x26: {  	[smem:$0x3F98] =	sst s1;
	(tag) =	ssettag s2;
	_ =	strace s9  }
0x27: {  	s1 =	sld [smem:$0x3FA8]  }
0x28: {  	s2 =	sld [smem:$0x3FA9]  }
0x29: {  	s4 =	sld [smem:$0x3FAB]  }
0x2a: {  	p0 =	seq.s32 s5, $0x0;
	s5 =	sld [smem:$0x3FAC]  }
0x2b: {  	s6 =	sld [smem:$0x3FAD]  }
0x2c: {  	s7 =	sld [smem:$0x3FAE]  }
0x2d: {  	s3 =	simm.s32 $0x108;
	s8 =	sld [smem:$0x3FAF]  }
0x2e: {  	s3 =	simm.s32 @!p0 $0x1082;
	s9 =	sld [smem:$0x3FB0]  }
0x2f: {  	lr =	sadd.s32 s0, s3;
	s0 =	sld [smem:$0x3FA7]  }
0x30: {  	s3 =	sld [smem:$0x3FAA]  }
0x31: {  	[smem:$0x3FB3] =	sst s10  }
0x32: {  	s10 =	sld [smem:$0x3FB1];
	_ =	sdelay $0x3  }
0x33: {  	p0 =	seq.s32 s10, $0x1;
	s10 =	sld [smem:$0x3FB3];
	_ =	sdelay $0x3  }
0x34: {  	[smem:$0x3FB3] =	sst s10  }
0x35: {  	s10 =	sld [smem:$0x3FB2];
	_ =	sdelay $0x3  }
0x36: {  	p1 =	seq.s32 s10, $0x1;
	s10 =	sld [smem:$0x3FB3];
	_ =	sdelay $0x3  }
0x37: {  	[smem:$0x3FB3] =	sst s10  }
0x38: {  	s10 =	sld [smem:$0x3FB4]  }
0x39: {  	_ = 	snop;
	(pc) =	sbr.ind lr, $3  }
0x3a: {  	_ = 	snop  }
0x3b: {  	_ = 	snop  }
0x3c: {  	p2 =	seq.s32 s10, $0x1;
	s10 =	sld [smem:$0x3FB3]  }
0x3d: {  	_ =	shalt  }
0x3e: {  	_ =	shalt  }
0x3f: {  	_ =	shalt  }
0x40: {  	_ =	shalt  }
0x41: {  	_ =	shalt  }
0x42: {  	_ =	shalt  }
0x43: {  	_ =	shalt  }
0x44: {  	_ =	shalt  }
0x45: {  	_ =	shalt  }
0x46: {  	_ =	shalt  }
0x47: {  	_ =	shalt  }
0x48: {  	_ =	shalt  }
0x49: {  	_ =	shalt  }
0x4a: {  	_ =	shalt  }
0x4b: {  	_ =	shalt  }
0x4c: {  	_ =	shalt  }
0x4d: {  	_ =	shalt  }
0x4e: {  	_ =	shalt  }
0x4f: {  	_ =	shalt  }
0x50: {  	_ =	shalt  }
0x51: {  	_ =	shalt  }
0x52: {  	_ =	shalt  }
0x53: {  	_ =	shalt  }
0x54: {  	_ =	shalt  }
0x55: {  	_ =	shalt  }
0x56: {  	_ =	shalt  }
0x57: {  	_ =	shalt  }
0x58: {  	_ =	shalt  }
0x59: {  	_ =	shalt  }
0x5a: {  	_ =	shalt  }
0x5b: {  	_ =	shalt  }
0x5c: {  	_ =	shalt  }
0x5d: {  	_ =	shalt  }
0x5e: {  	_ =	shalt  }
0x5f: {  	_ =	shalt  }
0x60: {  	_ =	shalt  }
0x61: {  	_ =	shalt  }
0x62: {  	_ =	shalt  }
0x63: {  	_ =	shalt  }
0x64: {  	_ =	shalt  }
0x65: {  	_ =	shalt  }
0x66: {  	_ =	shalt  }
0x67: {  	_ =	shalt  }
0x68: {  	_ =	shalt  }
0x69: {  	_ =	shalt  }
0x6a: {  	_ =	shalt  }
0x6b: {  	_ =	shalt  }
0x6c: {  	_ =	shalt  }
0x6d: {  	_ =	shalt  }
0x6e: {  	_ =	shalt  }
0x6f: {  	_ =	shalt  }
0x70: {  	_ =	shalt  }
0x71: {  	_ =	shalt  }
0x72: {  	_ =	shalt  }
0x73: {  	_ =	shalt  }
0x74: {  	_ =	shalt  }
0x75: {  	_ =	shalt  }
0x76: {  	_ =	shalt  }
0x77: {  	_ =	shalt  }
0x78: {  	_ =	shalt  }
0x79: {  	_ =	shalt  }
0x7a: {  	_ =	shalt  }
0x7b: {  	_ =	shalt  }
0x7c: {  	_ =	shalt  }
0x7d: {  	_ =	shalt  }
0x7e: {  	_ =	shalt  }
0x7f: {  	_ =	shalt  }
0x80: {  	_ =	shalt  }
0x81: {  	_ =	shalt  }
0x82: {  	_ =	shalt  }
0x83: {  	_ =	shalt  }
0x84: {  	_ =	shalt  }
0x85: {  	_ =	shalt  }
0x86: {  	_ =	shalt  }
0x87: {  	_ =	shalt  }
.Lfunc_end0:
.L_simem_size_0:
called_computation_lowered:
.L_overlay_start_0:
0x88: {  	s2 =	sld [smem:$0x3FD9]  }
0x89: {  	s3 =	sld [smem:$0x3FFE];
	_ =	sdelay $0x1  }
0x8a: {  	s1 =	srdreg.scid  }
0x8b: {  	s0 =	sand.u32 $0x1, s1  }
0x8c: {  	s16 =	sshll.u32 s0, $0xA;
	s2 =	sadd.s32 s3, s2  }
0x8d: {  	s2 =	sadd.s32 s2, s16  }
0x8e: {  	[smem:$0x3FBF] =	sst s2  }
0x8f: {  	_ = 	snop  }
0x90: {  	(tm) =	ssettm $0x1  }
0x91: {  	s17 =	sld [smem:$0x3FFB];
	_ =	sdelay $0x3  }
0x92: {  	_ =	strace s17  }
0x93: {  	s2 =	sld [smem:$0x3FFC];
	_ =	sdelay $0x3  }
0x94: {  	_ =	strace s2  }
0x95: {  	s2 =	sld [smem:$0x3FFD];
	_ =	sdelay $0x3  }
0x96: {  	_ =	strace s2  }
0x97: {  	_ =	strace $0x8FFFFFFF  }
0x98: {  	s18 =	sld [smem:$0x3FDB];
	_ =	sdelay $0x1  }
0x99: {  	s19 =	simm.s32 $_scs_section_size  }
0x9a: {  	s4 =	simm.s32 $_size__tile_overlayer_lowered;
	s5 =	simm.s32 $_tile_overlayer_lowered  }
0x9b: {  	s22 =	simm.s32 $0x1BFF;
	s21 =	sshll.u32 s5, $0x1;
	s2 =	sadd.s32 s19, s18  }
0x9c: {  	s6 =	simm.s32 $0x0;
	s20 =	sshll.u32 s4, $0x1;
	s4 =	sadd.s32 s21, s2  }
0x9d: {  	[timem:s6], [sflag:s22] =	dma.local [hbm:s4], s20  }
0x9e: {  	_ =	swait.ge [sflag:s22], s20  }
0x9f: {  	s3 =	ssub.s32 $0x0, s20;
	[sflag:s22] =	ssyncset.done $0x0  }
0xa0: {  	[sflag:s22] =	ssyncadd.s32 s3;
	_ =	sdelay $0x1  }
0xa1: {  	s23 =	simm.s32 $0x1B8B  }
0xa2: {  	_ =	swait.ge [sflag:s23], $0x1  }
0xa3: {  	[sflag:s23] =	ssyncset.done $0x0  }
0xa4: {  	s25 =	simm.s32 $0x1B8E;
	s24 =	sld [smem:$0x3FFE];
	[sflag:s23] =	ssyncadd.s32 $0xFFFFFFFF  }
0xa5: {  	s26 =	simm.s32 $execute0_lowered;
	[smem:$0x3FD2] =	sst s25  }
0xa6: {  	s4 =	sshll.u32 s26, $0x1;
	_ =	strace $0x80000046;
	[dreg:$0x1] =	wrdreg $0xFFFFFFFF  }
0xa7: {  	s28 =	simm.s32 $_size_execute0_lowered;
	s2 =	sadd.s32 s2, s4;
	[dreg:$0x0] =	wrdreg $0x0  }
0xa8: {  	s4 =	sshll.u32 s28, $0x1;
	[dreg:$0x2] =	wrdreg s2  }
0xa9: {  	[dreg:$0x3] =	wrdreg s4  }
0xaa: {  	[dreg:$0x4] =	wrdreg $0xC0  }
0xab: {  	_ =	task [dreg:s6], $0x5FFFF  }
0xac: {  	[dreg:$0x1] =	wrdreg $0xFFFFFFFF  }
0xad: {  	[dreg:$0x0] =	wrdreg $0x60  }
0xae: {  	[dreg:$0x2] =	wrdreg s24  }
0xaf: {  	[dreg:$0x3] =	wrdreg $0x0  }
0xb0: {  	[dreg:$0x4] =	wrdreg $0x9  }
0xb1: {  	_ =	task.clear_ibuf [dreg:s6], $0x5FFFF;
	_ =	strace $0x90000046  }
0xb2: {  	s29 =	simm.s32 $0x9;
	_ =	strace $0x80000048  }
0xb3: {  	_ =	swait.ge [sflag:s29], $0x1  }
0xb4: {  	[sflag:s29] =	ssyncadd.s32 $0xFFFFFFFF  }
0xb5: {  	_ =	strace $0x90000048  }
0xb6: {  	_ =	sfence  }
0xb7: {  	s30 =	sld [smem:$0x0];
	_ =	sdelay $0x2  }
0xb8: {  	s31 =	sshll.u32 s1, $0xD;
	s1 =	sshrl.u32 s1, $0x2  }
0xb9: {  	s3 =	sand.u32 $0x4000, s31;
	s1 =	sadd.s32 s1, s30  }
0xba: {  	s0 =	sor.u32 s3, s0;
	s1 =	sshll.u32 s1, $0x11  }
0xbb: {  	s0 =	sor.u32 s1, s0  }
0xbc: {  	s0 =	sadd.s32 $0x8F2B, s0  }
0xbd: {  	[sflag:s0] =	ssyncadd.remote.s32 $0x1  }
0xbe: {  	_ =	sfence.sel $0xFFFF  }
0xbf: {  	[dreg:$0x0] =	wrdreg $0xFFFFFFFF;
	(pc) =	sbr.abs _section_cstart, $3  }
0xc0: {  	[dreg:$0x1] =	wrdreg $0xFFFFFFFF  }
0xc1: {  	_ =	task.clear_ibuf [dreg:s6], $0x2FFFF;
	_ =	strace $0x9FFFFFFF  }
0xc2: {  	(tm) =	ssettm $0x7FFFFFFF  }
0xc3: {  	_ =	shalt  }
tec
execute0_lowered:
.L_overlay_start_1:
0x0: {  	(tag) =	ssettag $0x1  }
0x1: {  	s5 =	rddreg [dreg:$0x0];
	s0 =	srdreg.scid  }
0x2: {  	s2 =	rddreg [dreg:$0x1];
	s1 =	stileid.u32  }
0x3: {  	s3 =	simm.s32 $0x0;
	s16 =	simm.s32 $0x6800;
	s17 =	simm.s32 $0x80  }
0x4: {  	s18 =	simm.s32 $0x6880;
	s19 =	simm.s32 $0x10;
	s22 =	simm.s32 $0x0  }
0x5: {  	s7 =	sand.u32 $0x1, s0;
	s0 =	rddreg [dreg:$0x2];
	s6 =	smul.u32 $0x14000, s1  }
0x6: {  	[smem:$0x7FF] =	sst s3;
	s13 =	sadd.s32 $0xD000, s5;
	s9 =	smul.u32 $0x50000, s1  }
0x7: {  	s8 =	sshll.u32 s1, $0x1;
	s12 =	smul.u32 $0x4E20, s1;
	s20 =	sshll.u32 s1, $0x6  }
0x8: {  	s4 =	smul.u32 $0x140000, s7;
	_ =	strace $0x80000047;
	s25 =	sor.u32 s7, s8  }
0x9: {  	s26 =	ssub.s32 $0x2, s7;
	s30 =	smul.u32 $0x2710, s7;
	s20 =	sor.u32 $0x1C01, s20  }
0xa: {  	s28 =	sshrl.u32 s9, $0x2;
	s29 =	smul.u32 $0x2710, s25;
	s10 =	sshrl.u32 s26, $0x1  }
0xb: {  	s4 =	sadd.s32 s6, s4;
	s14 =	ssub.s32 s26, s10;
	s12 =	sadd.s32 s30, s12  }
0xc: {  	s6 =	sshrl.u32 s4, $0x3;
	s4 =	sadd.s32 $0x16E00, s5;
	s15 =	sshrl.u32 s29, $0x3  }
0xd: {  	s31 =	sshrl.u32 s12, $0x3;
	s12 =	smax.u32 s14, $0x1;
	s14 =	simm.s32 $0x2800  }
0xe: {  	s11 =	sadd.s32 s6, s5;
	s5 =	sadd.s32 s28, s2;
	s15 =	sadd.s32 s13, s15  }
0xf: {  	s13 =	sadd.s32 s31, s13;
	s6 =	sadd.s32 $0x4000, s5;
	s7 =	sadd.s32 $0x8000, s5  }
0x10: {  	s8 =	sadd.s32 $0xC000, s5;
	s9 =	sadd.s32 $0x10000, s5;
	s10 =	sadd.s32 $0x4E0, s15  }
0x11: {  	s11 =	sadd.s32 $0x17600, s11;
	s15 =	simm.s32 $0x1;
	s21 =	sshrl.u32 s5, $0x3  }
.LBB2_1:
0x12: {  	[tilespmem:s14], [sflag:$0x1] =	stream.linear.gather [hbm4b:s4+s3], $0x4000, $0x38;
	[tilespmem:$0x6900] =	vst v63  }
0x13: {  	_ =	swait.ge [sflag:s15], $0x4000  }
0x14: {  	[sflag:s15] =	ssyncset.done $0x0  }
0x15: {  	[sflag:s15] =	ssyncadd.s32 $0xFFFFC000  }
0x16: {  	[spmem:s5] =	stream.linear.scatter [tilespmem:s14], [sflag:$0x1], $0x4000, $0x38;
	[tilespmem:$0x6900] =	vst v63  }
0x17: {  	_ =	swait.ge [sflag:s15], $0x4000  }
0x18: {  	[sflag:s15] =	ssyncset.done $0x0  }
0x19: {  	[sflag:s15] =	ssyncadd.s32 $0xFFFFC000  }
0x1a: {  	[spmem:s6] =	stream.linear.scatter [tilespmem:s14], [sflag:$0x1], $0x4000, $0x38;
	[tilespmem:$0x6900] =	vst v63  }
0x1b: {  	_ =	swait.ge [sflag:s15], $0x4000  }
0x1c: {  	[sflag:s15] =	ssyncset.done $0x0  }
0x1d: {  	[sflag:s15] =	ssyncadd.s32 $0xFFFFC000  }
0x1e: {  	[spmem:s7] =	stream.linear.scatter [tilespmem:s14], [sflag:$0x1], $0x4000, $0x38;
	[tilespmem:$0x6900] =	vst v63  }
0x1f: {  	_ =	swait.ge [sflag:s15], $0x4000  }
0x20: {  	[sflag:s15] =	ssyncset.done $0x0  }
0x21: {  	[sflag:s15] =	ssyncadd.s32 $0xFFFFC000  }
0x22: {  	[spmem:s8] =	stream.linear.scatter [tilespmem:s14], [sflag:$0x1], $0x4000, $0x38;
	[tilespmem:$0x6900] =	vst v63  }
0x23: {  	_ =	swait.ge [sflag:s15], $0x4000  }
0x24: {  	[sflag:s15] =	ssyncset.done $0x0  }
0x25: {  	[sflag:s15] =	ssyncadd.s32 $0xFFFFC000  }
0x26: {  	[spmem:s9] =	stream.linear.scatter [tilespmem:s14], [sflag:$0x1], $0x4000, $0x38;
	[tilespmem:$0x6900] =	vst v63  }
0x27: {  	_ =	swait.ge [sflag:s15], $0x4000  }
0x28: {  	[sflag:s15] =	ssyncset.done $0x0  }
0x29: {  	[sflag:s15] =	ssyncadd.s32 $0xFFFFC000  }
0x2a: {  	s23 =	sadd.s32 $0x0, s13;
	[bflag:$0x0] =	sbarrier.arrive $0xFFFF  }
0x2b: {  	[tilespmem:s16], [sflag:$0x1] =	stream.linear.gather [hbm4b:s23+s3], $0x80, $0x38;
	[tilespmem:$0x6900] =	vst v63  }
0x2c: {  	_ =	swait.ge [sflag:s15], $0x80  }
0x2d: {  	[sflag:s15] =	ssyncset.done $0x0  }
0x2e: {  	[sflag:s15] =	ssyncadd.s32 $0xFFFFFF80  }
0x2f: {  	[spmem:s2] =	stream.indirect.scatter.add.f32 [tilespmem:s14], [sflag:$0x1], $0x10, s16, s17, $0xb8;
	[tilespmem:$0x6900] =	vst v63  }
0x30: {  	_ =	swait.ge [sflag:s15], $0x800  }
0x31: {  	s24 =	simm.s32 $0x20;
	s23 =	simm.s32 $0x10;
	[sflag:s15] =	ssyncset.done $0x0  }
.LBB2_2:
0x32: {  	s25 =	sadd.s32 s23, s13  }
0x33: {  	[sflag:s15] =	ssyncadd.s32 $0xFFFFF800;
	s23 =	smov.u32 s24;
	s26 =	sadd.s32 $0x10, s24  }
0x34: {  	[tilespmem:s16], [sflag:$0x1] =	stream.linear.gather [hbm4b:s25+s3], $0x80, $0x38;
	[tilespmem:$0x6900] =	vst v63  }
0x35: {  	p0 =	sne.s32 s24, $0x4D0;
	_ =	swait.ge [sflag:s15], $0x80  }
.Ltmp0:
0x36: {  	[sflag:s15] =	ssyncset.done $0x0;
	(pc) =	sbr.rel @p0 .LBB2_2-.Ltmp0, $4  }
0x37: {  	[sflag:s15] =	ssyncadd.s32 $0xFFFFFF80  }
0x38: {  	[spmem:s2] =	stream.indirect.scatter.add.f32 [tilespmem:s14], [sflag:$0x1], $0x10, s16, s17, $0xb8;
	[tilespmem:$0x6900] =	vst v63  }
0x39: {  	_ =	swait.ge [sflag:s15], $0x800  }
0x3a: {  	s24 =	smov.u32 s26;
	[sflag:s15] =	ssyncset.done $0x0  }
0x3b: {  	s23 =	sadd.s32 s23, s13;
	[sflag:s15] =	ssyncadd.s32 $0xFFFFF800  }
0x3c: {  	[tilespmem:s16], [sflag:$0x1] =	stream.linear.gather [hbm4b:s23+s3], $0x80, $0x38;
	[tilespmem:$0x6900] =	vst v63  }
0x3d: {  	_ =	swait.ge [sflag:s15], $0x80  }
0x3e: {  	[sflag:s15] =	ssyncset.done $0x0  }
0x3f: {  	[sflag:s15] =	ssyncadd.s32 $0xFFFFFF80  }
0x40: {  	[spmem:s2] =	stream.indirect.scatter.add.f32 [tilespmem:s14], [sflag:$0x1], $0x10, s16, s17, $0xb8;
	[tilespmem:$0x6900] =	vst v63  }
0x41: {  	_ =	swait.ge [sflag:s15], $0x800  }
0x42: {  	[sflag:s15] =	ssyncset.done $0x0  }
0x43: {  	[sflag:s15] =	ssyncadd.s32 $0xFFFFF800  }
0x44: {  	[tilespmem:s18], [sflag:$0x1] =	stream.linear.gather [hbm4b:s10+s3], $0x10, $0x38;
	[tilespmem:$0x6900] =	vst v63  }
0x45: {  	_ =	swait.ge [sflag:s15], $0x10  }
0x46: {  	[sflag:s15] =	ssyncset.done $0x0  }
0x47: {  	[sflag:s15] =	ssyncadd.s32 $0xFFFFFFF0  }
0x48: {  	[spmem:s2] =	stream.indirect.scatter.add.f32 [tilespmem:s14], [sflag:$0x1], $0x10, s18, s19, $0xb8;
	[tilespmem:$0x6900] =	vst v63  }
0x49: {  	_ =	swait.ge [sflag:s15], $0x100  }
0x4a: {  	s22 =	sadd.s32 $0x1, s22;
	[sflag:s15] =	ssyncset.done $0x0  }
0x4b: {  	p0 =	sne.s32 s22, s12;
	[sflag:s15] =	ssyncadd.s32 $0xFFFFFF00  }
.Ltmp1:
0x4c: {  	[bflag:$0x0] =	sbarrier.arrive $0xFFFF;
	(pc) =	sbr.rel @p0 .LBB2_1-.Ltmp1, $4  }
0x4d: {  	[hbm:s11], [sflag:s20] =	dma.local [spmem:s21], $0x2800  }
0x4e: {  	_ =	swait.ge [sflag:s15], $0x2800  }
0x4f: {  	[sflag:s15] =	ssyncset.done $0x0  }
0x50: {  	[sflag:s15] =	ssyncadd.s32 $0xFFFFD800  }
0x51: {  	_ =	sfence.sel $0x180000  }
0x52: {  	[bflag:$0x0] =	sbarrier.arrive $0xFFFF  }
0x53: {  	p0 =	sne.s32 s1, $0x0;
	_ =	strace $0x90000047  }
0x54: {  	s0 =	sadd.s32 @!p0 $0x100000, s0;
	[bflag:$0x2] =	sbarrier.arrive $0xFFFF  }
0x55: {  	[sflag:s0] =	ssyncadd.tile.s32 @!p0 $0x1;
	_ =	shalt  }
.Lfunc_end2:
_tile_overlayer_lowered:
.L_overlay_start_2:
0x56: {  	(tag) =	ssettag $0x2  }
0x57: {  	s0 =	rddreg [dreg:$0x0];
	s2 =	stileid.u32  }
0x58: {  	s1 =	rddreg [dreg:$0x1];
	p0 =	sne.s32 s2, $0x0  }
0x59: {  	s3 =	rddreg [dreg:$0x2];
	[bflag:$0x3] =	sbarrier.arrive $0xFFFF;
	s2 =	simm.s32 @!p0 $0x1C01  }
0x5a: {  	[timem:s3], [sflag:s2] =	dma.local @!p0 [hbm:s0], s1  }
0x5b: {  	s0 =	simm.s32 @!p0 $0x1  }
0x5c: {  	_ =	swait.ge @!p0 [sflag:s0], s1  }
0x5d: {  	s1 =	ssub.s32 @!p0 $0x0, s1;
	[sflag:s0] =	ssyncset.done @!p0 $0x0  }
0x5e: {  	[sflag:s0] =	ssyncadd.s32 @!p0 s1  }
0x5f: {  	[bflag:$0x3] =	sbarrier.arrive $0xFFFF  }
0x60: {  	_ =	shalt  }

</sc_bundles>
